<compile_context>
chip_gen: v7x
topology: tpu7x:2x2x1
jax: 0.10.2.dev20260603
libtpu: 0.0.44.dev20260713+nightly
codegen_flags: <defaults>
</compile_context>

<pallas_src>
import functools

import jax
import jax.numpy as jnp
from jax import lax
from jax.experimental import pallas as pl
from jax.experimental.pallas import tpu as pltpu
from jax.experimental.pallas import tpu_sc as plsc

D_MODEL = 960
VOCAB = 64
BATCH = 4
SEQ = 4096

NUM_CORES = 2
NUM_SUBCORES = 16
NW = NUM_CORES * NUM_SUBCORES
NFG = 8
F_PER_W = D_MODEL // NFG
FB_PER_W = F_PER_W // 8
NPBLK = SEQ // 128

_mesh = plsc.VectorSubcoreMesh(core_axis_name="c", subcore_axis_name="s")


@functools.partial(
    pl.kernel,
    mesh=_mesh,
    compiler_params=pltpu.CompilerParams(
        use_tc_tiling_on_sc=False,
        needs_layout_passes=False,
        skip_device_barrier=True
    ),
    out_type=jax.ShapeDtypeStruct((BATCH, D_MODEL // 8, NPBLK, 8, 128), jnp.float32),
    scratch_types=[
        pltpu.VMEM((SEQ,), jnp.int32),
        pltpu.VMEM((F_PER_W * VOCAB,), jnp.float32),
        pltpu.VMEM((4, FB_PER_W, 8, 128), jnp.float32),
        pltpu.SemaphoreType.DMA,
        pltpu.SemaphoreType.DMA,
        pltpu.SemaphoreType.DMA,
        pltpu.SemaphoreType.DMA,
    ],
)
def _embed_tgather(tablet_hbm, idx_hbm, out_hbm, tok_v, tbl_v, buf_v, o0, o1, o2, o3):
    wid = lax.axis_index("s") * NUM_CORES + lax.axis_index("c")
    fg = wid // BATCH
    b = wid % BATCH
    osem = (o0, o1, o2, o3)

    pltpu.sync_copy(idx_hbm.at[pl.ds(b * SEQ, SEQ)], tok_v)
    pltpu.sync_copy(tablet_hbm.at[pl.ds(fg * F_PER_W * VOCAB, F_PER_W * VOCAB)], tbl_v)

    def compute_block(p, half):
        addrs0 = tuple(
            tok_v[pl.ds(p * 128 + j * 16, 16)] for j in range(8)
        )

        @plsc.parallel_loop(0, F_PER_W, unroll=8, carry=addrs0)
        def fbody(f, addrs):
            fb = f // 8
            fs = f % 8
            vals = [plsc.load_gather(tbl_v, [addrs[j]]) for j in range(8)]
            for j in range(8):
                buf_v[half, fb, fs, pl.ds(j * 16, 16)] = vals[j]
            return tuple(a + VOCAB for a in addrs)

    def pbody(i, carry):
        for half in range(4):
            p = i * 4 + half

            @pl.when(p >= 4)
            def _wait():
                pltpu.make_async_copy(
                    buf_v.at[half],
                    out_hbm.at[b, pl.ds(fg * FB_PER_W, FB_PER_W), 0],
                    osem[half],
                ).wait()

            compute_block(p, half)
            pltpu.async_copy(
                buf_v.at[half],
                out_hbm.at[b, pl.ds(fg * FB_PER_W, FB_PER_W), p],
                osem[half],
            )
        return carry

    lax.fori_loop(0, NPBLK // 4, pbody, 0)
    for half in range(4):
        pltpu.make_async_copy(
            buf_v.at[half],
            out_hbm.at[b, pl.ds(fg * FB_PER_W, FB_PER_W), 0],
            osem[half],
        ).wait()


def kernel(sequence_tokens, embed_weight):
    idx = sequence_tokens.reshape(BATCH * SEQ).astype(jnp.int32)
    tablet = jnp.swapaxes(embed_weight, 0, 1).reshape(D_MODEL * VOCAB)
    x5 = _embed_tgather(tablet, idx)
    embeddings = (
        x5.transpose(0, 1, 3, 2, 4)
        .reshape(BATCH, D_MODEL, SEQ)
        .transpose(0, 2, 1)
    )
    sequence_logits = jnp.zeros((BATCH, SEQ, VOCAB), dtype=embeddings.dtype)
    return (sequence_logits, embeddings)

# --- scband reference (transcript-rebuilt; emitter-appended) ---
"""Pipeline reference for scband-dummy-esmc-46815143527063 (READ-ONLY COPY).

The authoritative reference and input builder live on the scoring server;
editing this copy changes nothing except your own understanding.
"""

import jax, jax.numpy as jnp
import numpy as np

D_MODEL = 960
VOCAB = 64

def setup_inputs(seed: int = 0) -> dict:
    key = jax.random.key(seed)
    k1, k2 = jax.random.split(key)
    sequence_tokens = jax.random.randint(k1, (4, 4096), 0, VOCAB, dtype=jnp.int64)
    embed_weight = jax.random.normal(k2, (VOCAB, D_MODEL), dtype=jnp.float32)
    return {"sequence_tokens": sequence_tokens, "embed_weight": embed_weight}

def reference(sequence_tokens, embed_weight):
    # embedding lookup: table[idx]
    embeddings = jnp.take(embed_weight, sequence_tokens, axis=0)
    # DummyESMCOutput: sequence_logits = zeros_like(embeddings[:, :, :64])
    sequence_logits = jnp.zeros_like(embeddings[:, :, :64])
    return (sequence_logits, embeddings)

if __name__ == "__main__":
    import jax
    _d = setup_inputs()
    print(jax.jit(kernel)(*tuple(_d.values())))

</pallas_src>

<mosaic_0001>
#map = affine_map<(d0, d1) -> (0)>
#map1 = affine_map<(d0, d1) -> (0, 0, 0, 0, 0)>
module attributes {stable_mosaic.version = 14 : i64} {
  func.func @_embed_tgather(%arg0: i32, %arg1: i32, %arg2: memref<61440xf32, #tpu.memory_space<hbm>>, %arg3: memref<16384xi32, #tpu.memory_space<hbm>>, %arg4: memref<4x120x32x8x128xf32, #tpu.memory_space<hbm>>, %arg5: memref<4096xi32, #tpu.memory_space<vmem>>, %arg6: memref<7680xf32, #tpu.memory_space<vmem>>, %arg7: memref<4x15x8x128xf32, #tpu.memory_space<vmem>>, %arg8: memref<!tpu.dma_semaphore, #tpu.memory_space<semaphore_mem>>, %arg9: memref<!tpu.dma_semaphore, #tpu.memory_space<semaphore_mem>>, %arg10: memref<!tpu.dma_semaphore, #tpu.memory_space<semaphore_mem>>, %arg11: memref<!tpu.dma_semaphore, #tpu.memory_space<semaphore_mem>>) attributes {dimension_semantics = [#tpu.dimension_semantics<core_parallel>, #tpu.dimension_semantics<subcore_parallel>], iteration_bounds = array<i64: 2, 16>, scalar_prefetch = 0 : i64, scratch_operands = 7 : i64, tpu.core_type = #tpu.core_type<sc_vector_subcore>, window_params = [{transform_indices = #map}, {transform_indices = #map}, {transform_indices = #map1}]} {
    %mul3A = arith.constant 2 : i32
    %mul3A_0 = arith.muli %arg1, %mul3A : i32
    %add3A = arith.addi %mul3A_0, %arg0 : i32
    %jit3A = arith.constant 4 : i32
    %div3A = arith.divsi %add3A, %jit3A : i32
    %sign3A = arith.constant 0 : i32
    %sign3A_1 = arith.cmpi sgt, %add3A, %sign3A : i32
    %sign3A_2 = arith.extui %sign3A_1 : i1 to i32
    %sign3A_3 = arith.constant 0 : i32
    %sign3A_4 = arith.cmpi slt, %add3A, %sign3A_3 : i32
    %sign3A_5 = arith.extui %sign3A_4 : i1 to i32
    %sign3A_6 = arith.subi %sign3A_2, %sign3A_5 : i32
    %sign3A_7 = arith.constant 0 : i32
    %sign3A_8 = arith.cmpi sgt, %jit3A, %sign3A_7 : i32
    %sign3A_9 = arith.extui %sign3A_8 : i1 to i32
    %sign3A_10 = arith.constant 0 : i32
    %sign3A_11 = arith.cmpi slt, %jit3A, %sign3A_10 : i32
    %sign3A_12 = arith.extui %sign3A_11 : i1 to i32
    %sign3A_13 = arith.subi %sign3A_9, %sign3A_12 : i32
    %ne3A = arith.cmpi ne, %sign3A_6, %sign3A_13 : i32
    %rem3A = arith.remsi %add3A, %jit3A : i32
    %ne3A_14 = arith.constant 0 : i32
    %ne3A_15 = arith.cmpi ne, %rem3A, %ne3A_14 : i32
    %and3A = arith.andi %ne3A, %ne3A_15 : i1
    %sub3A = arith.constant 1 : i32
    %sub3A_16 = arith.subi %div3A, %sub3A : i32
    %select_n3A = arith.select %and3A, %sub3A_16, %div3A : i32
    %jit3A_17 = arith.constant 4 : i32
    %eq3A = arith.constant 0 : i32
    %eq3A_18 = arith.cmpi eq, %jit3A_17, %eq3A : i32
    %jit3A_19 = arith.constant 1 : i32
    %select_n3A_20 = arith.select %eq3A_18, %jit3A_19, %jit3A_17 : i32
    %rem3A_21 = arith.remsi %add3A, %select_n3A_20 : i32
    %ne3A_22 = arith.constant 0 : i32
    %ne3A_23 = arith.cmpi ne, %rem3A_21, %ne3A_22 : i32
    %lt3A = arith.constant 0 : i32
    %lt3A_24 = arith.cmpi slt, %rem3A_21, %lt3A : i32
    %lt3A_25 = arith.constant 0 : i32
    %lt3A_26 = arith.cmpi slt, %select_n3A_20, %lt3A_25 : i32
    %ne3A_27 = arith.xori %lt3A_24, %lt3A_26 : i1
    %and3A_28 = arith.andi %ne3A_27, %ne3A_23 : i1
    %add3A_29 = arith.addi %rem3A_21, %select_n3A_20 : i32
    %select_n3A_30 = arith.select %and3A_28, %add3A_29, %rem3A_21 : i32
    %mul3A_31 = arith.constant 4096 : i32
    %mul3A_32 = arith.muli %select_n3A_30, %mul3A_31 : i32
    "tpu.region"() ({
      %run_scoped3A = tpu.sem_alloc : memref<!tpu.dma_semaphore, #tpu.memory_space<semaphore_mem>>
      %dma_start3A = tpu.memref_slice %arg3[%mul3A_32] : memref<16384xi32, #tpu.memory_space<hbm>> -> memref<4096xi32, #tpu.memory_space<hbm>>
      %dma_start3A_129 = tpu.memref_slice %arg3[%mul3A_32] : memref<16384xi32, #tpu.memory_space<hbm>> -> memref<4096xi32, #tpu.memory_space<hbm>>
      tpu.enqueue_dma source(%dma_start3A_129 : memref<4096xi32, #tpu.memory_space<hbm>>) target(%arg5 : memref<4096xi32, #tpu.memory_space<vmem>>) target_semaphore(%run_scoped3A : memref<!tpu.dma_semaphore, #tpu.memory_space<semaphore_mem>>)
      %dma_wait3A_130 = tpu.memref_slice %arg3[%mul3A_32] : memref<16384xi32, #tpu.memory_space<hbm>> -> memref<4096xi32, #tpu.memory_space<hbm>>
      %dma_wait3A_131 = tpu.memref_slice %arg3[%mul3A_32] : memref<16384xi32, #tpu.memory_space<hbm>> -> memref<4096xi32, #tpu.memory_space<hbm>>
      tpu.wait_dma2 semaphore(%run_scoped3A : memref<!tpu.dma_semaphore, #tpu.memory_space<semaphore_mem>>) src(%dma_wait3A_131 : memref<4096xi32, #tpu.memory_space<hbm>>) dst(%arg5 : memref<4096xi32, #tpu.memory_space<vmem>>)
      tpu.yield
    }) : () -> ()
    %mul3A_33 = arith.constant 120 : i32
    %mul3A_34 = arith.muli %select_n3A, %mul3A_33 : i32
    %mul3A_35 = arith.constant 64 : i32
    %mul3A_36 = arith.muli %mul3A_34, %mul3A_35 : i32
    "tpu.region"() ({
      %run_scoped3A = tpu.sem_alloc : memref<!tpu.dma_semaphore, #tpu.memory_space<semaphore_mem>>
      %dma_start3A = tpu.memref_slice %arg2[%mul3A_36] : memref<61440xf32, #tpu.memory_space<hbm>> -> memref<7680xf32, #tpu.memory_space<hbm>>
      %dma_start3A_129 = tpu.memref_slice %arg2[%mul3A_36] : memref<61440xf32, #tpu.memory_space<hbm>> -> memref<7680xf32, #tpu.memory_space<hbm>>
      tpu.enqueue_dma source(%dma_start3A_129 : memref<7680xf32, #tpu.memory_space<hbm>>) target(%arg6 : memref<7680xf32, #tpu.memory_space<vmem>>) target_semaphore(%run_scoped3A : memref<!tpu.dma_semaphore, #tpu.memory_space<semaphore_mem>>)
      %dma_wait3A_130 = tpu.memref_slice %arg2[%mul3A_36] : memref<61440xf32, #tpu.memory_space<hbm>> -> memref<7680xf32, #tpu.memory_space<hbm>>
      %dma_wait3A_131 = tpu.memref_slice %arg2[%mul3A_36] : memref<61440xf32, #tpu.memory_space<hbm>> -> memref<7680xf32, #tpu.memory_space<hbm>>
      tpu.wait_dma2 semaphore(%run_scoped3A : memref<!tpu.dma_semaphore, #tpu.memory_space<semaphore_mem>>) src(%dma_wait3A_131 : memref<7680xf32, #tpu.memory_space<hbm>>) dst(%arg6 : memref<7680xf32, #tpu.memory_space<vmem>>)
      tpu.yield
    }) : () -> ()
    %scan3A = arith.constant 0 : i32
    %scan3A_37 = arith.constant 0 : i32
    %scan3A_38 = arith.constant 8 : i32
    %scan3A_39 = arith.addi %scan3A_37, %scan3A_38 : i32
    %scan3A_40 = arith.constant 1 : i32
    scf.for %scan3A_129 = %scan3A_37 to %scan3A_39 step %scan3A_40  : i32 {
      %mul3A_130 = arith.constant 4 : i32
      %mul3A_131 = arith.muli %scan3A_129, %mul3A_130 : i32
      %add3A_132 = arith.constant 0 : i32
      %add3A_133 = arith.addi %mul3A_131, %add3A_132 : i32
      %ge3A = arith.constant 4 : i32
      %ge3A_134 = arith.cmpi sge, %add3A_133, %ge3A : i32
      %convert_element_type3A = arith.extui %ge3A_134 : i1 to i32
      %cond3A = arith.constant 0 : i32
      %cond3A_135 = arith.cmpi ne, %convert_element_type3A, %cond3A : i32
      scf.if %cond3A_135 {
        %mul3A_452 = arith.constant 15 : i32
        %mul3A_453 = arith.muli %select_n3A, %mul3A_452 : i32
        %dma_wait3A_454 = arith.constant 0 : i32
        %dma_wait3A_455 = arith.constant 0 : i32
        %dma_wait3A_456 = arith.constant 0 : i32
        %dma_wait3A_457 = arith.constant 0 : i32
        %dma_wait3A_458 = arith.constant 0 : i32
        %dma_wait3A_459 = tpu.memref_slice %arg7[%dma_wait3A_454, %dma_wait3A_456, %dma_wait3A_457, %dma_wait3A_458] : memref<4x15x8x128xf32, #tpu.memory_space<vmem>> -> memref<1x15x8x128xf32, #tpu.memory_space<vmem>>
        %dma_wait3A_460 = tpu.memref_squeeze %dma_wait3A_459 : memref<1x15x8x128xf32, #tpu.memory_space<vmem>> -> memref<15x8x128xf32, #tpu.memory_space<vmem>>
        %dma_wait3A_461 = arith.constant 0 : i32
        %dma_wait3A_462 = arith.constant 0 : i32
        %dma_wait3A_463 = tpu.memref_slice %arg4[%select_n3A_30, %mul3A_453, %dma_wait3A_455, %dma_wait3A_461, %dma_wait3A_462] : memref<4x120x32x8x128xf32, #tpu.memory_space<hbm>> -> memref<1x15x1x8x128xf32, #tpu.memory_space<hbm>>
        %dma_wait3A_464 = tpu.memref_squeeze %dma_wait3A_463 : memref<1x15x1x8x128xf32, #tpu.memory_space<hbm>> -> memref<15x8x128xf32, #tpu.memory_space<hbm>>
        %dma_wait3A_465 = arith.constant 0 : i32
        %dma_wait3A_466 = arith.constant 0 : i32
        %dma_wait3A_467 = tpu.memref_slice %arg4[%select_n3A_30, %mul3A_453, %dma_wait3A_455, %dma_wait3A_465, %dma_wait3A_466] : memref<4x120x32x8x128xf32, #tpu.memory_space<hbm>> -> memref<1x15x1x8x128xf32, #tpu.memory_space<hbm>>
        %dma_wait3A_468 = tpu.memref_squeeze %dma_wait3A_467 : memref<1x15x1x8x128xf32, #tpu.memory_space<hbm>> -> memref<15x8x128xf32, #tpu.memory_space<hbm>>
        %dma_wait3A_469 = arith.constant 0 : i32
        %dma_wait3A_470 = arith.constant 0 : i32
        %dma_wait3A_471 = arith.constant 0 : i32
        %dma_wait3A_472 = tpu.memref_slice %arg7[%dma_wait3A_454, %dma_wait3A_469, %dma_wait3A_470, %dma_wait3A_471] : memref<4x15x8x128xf32, #tpu.memory_space<vmem>> -> memref<1x15x8x128xf32, #tpu.memory_space<vmem>>
        %dma_wait3A_473 = tpu.memref_squeeze %dma_wait3A_472 : memref<1x15x8x128xf32, #tpu.memory_space<vmem>> -> memref<15x8x128xf32, #tpu.memory_space<vmem>>
        tpu.wait_dma2 semaphore(%arg8 : memref<!tpu.dma_semaphore, #tpu.memory_space<semaphore_mem>>) src(%dma_wait3A_473 : memref<15x8x128xf32, #tpu.memory_space<vmem>>) dst(%dma_wait3A_468 : memref<15x8x128xf32, #tpu.memory_space<hbm>>)
      } else {
      }
      %mul3A_136 = arith.constant 128 : i32
      %mul3A_137 = arith.muli %add3A_133, %mul3A_136 : i32
      %add3A_138 = arith.constant 0 : i32
      %add3A_139 = arith.addi %mul3A_137, %add3A_138 : i32
      %get3A = arith.index_cast %add3A_139 : i32 to index
      %get3A_140 = tpu.vector_load %arg5[%get3A] {strides = array<i32>} : memref<4096xi32, #tpu.memory_space<vmem>>, vector<16xi32>,
      %mul3A_141 = arith.constant 128 : i32
      %mul3A_142 = arith.muli %add3A_133, %mul3A_141 : i32
      %add3A_143 = arith.constant 16 : i32
      %add3A_144 = arith.addi %mul3A_142, %add3A_143 : i32
      %get3A_145 = arith.index_cast %add3A_144 : i32 to index
      %get3A_146 = tpu.vector_load %arg5[%get3A_145] {strides = array<i32>} : memref<4096xi32, #tpu.memory_space<vmem>>, vector<16xi32>,
      %mul3A_147 = arith.constant 128 : i32
      %mul3A_148 = arith.muli %add3A_133, %mul3A_147 : i32
      %add3A_149 = arith.constant 32 : i32
      %add3A_150 = arith.addi %mul3A_148, %add3A_149 : i32
      %get3A_151 = arith.index_cast %add3A_150 : i32 to index
      %get3A_152 = tpu.vector_load %arg5[%get3A_151] {strides = array<i32>} : memref<4096xi32, #tpu.memory_space<vmem>>, vector<16xi32>,
      %mul3A_153 = arith.constant 128 : i32
      %mul3A_154 = arith.muli %add3A_133, %mul3A_153 : i32
      %add3A_155 = arith.constant 48 : i32
      %add3A_156 = arith.addi %mul3A_154, %add3A_155 : i32
      %get3A_157 = arith.index_cast %add3A_156 : i32 to index
      %get3A_158 = tpu.vector_load %arg5[%get3A_157] {strides = array<i32>} : memref<4096xi32, #tpu.memory_space<vmem>>, vector<16xi32>,
      %mul3A_159 = arith.constant 128 : i32
      %mul3A_160 = arith.muli %add3A_133, %mul3A_159 : i32
      %add3A_161 = arith.constant 64 : i32
      %add3A_162 = arith.addi %mul3A_160, %add3A_161 : i32
      %get3A_163 = arith.index_cast %add3A_162 : i32 to index
      %get3A_164 = tpu.vector_load %arg5[%get3A_163] {strides = array<i32>} : memref<4096xi32, #tpu.memory_space<vmem>>, vector<16xi32>,
      %mul3A_165 = arith.constant 128 : i32
      %mul3A_166 = arith.muli %add3A_133, %mul3A_165 : i32
      %add3A_167 = arith.constant 80 : i32
      %add3A_168 = arith.addi %mul3A_166, %add3A_167 : i32
      %get3A_169 = arith.index_cast %add3A_168 : i32 to index
      %get3A_170 = tpu.vector_load %arg5[%get3A_169] {strides = array<i32>} : memref<4096xi32, #tpu.memory_space<vmem>>, vector<16xi32>,
      %mul3A_171 = arith.constant 128 : i32
      %mul3A_172 = arith.muli %add3A_133, %mul3A_171 : i32
      %add3A_173 = arith.constant 96 : i32
      %add3A_174 = arith.addi %mul3A_172, %add3A_173 : i32
      %get3A_175 = arith.index_cast %add3A_174 : i32 to index
      %get3A_176 = tpu.vector_load %arg5[%get3A_175] {strides = array<i32>} : memref<4096xi32, #tpu.memory_space<vmem>>, vector<16xi32>,
      %mul3A_177 = arith.constant 128 : i32
      %mul3A_178 = arith.muli %add3A_133, %mul3A_177 : i32
      %add3A_179 = arith.constant 112 : i32
      %add3A_180 = arith.addi %mul3A_178, %add3A_179 : i32
      %get3A_181 = arith.index_cast %add3A_180 : i32 to index
      %get3A_182 = tpu.vector_load %arg5[%get3A_181] {strides = array<i32>} : memref<4096xi32, #tpu.memory_space<vmem>>, vector<16xi32>,
      %parallel_loop3A = arith.constant 0 : i32
      %parallel_loop3A_183 = arith.constant 120 : i32
      %parallel_loop3A_184 = arith.constant 1 : i32
      %parallel_loop3A_185:8 = scf.for %parallel_loop3A_452 = %parallel_loop3A to %parallel_loop3A_183 step %parallel_loop3A_184 iter_args(%parallel_loop3A_453 = %get3A_140, %parallel_loop3A_454 = %get3A_146, %parallel_loop3A_455 = %get3A_152, %parallel_loop3A_456 = %get3A_158, %parallel_loop3A_457 = %get3A_164, %parallel_loop3A_458 = %get3A_170, %parallel_loop3A_459 = %get3A_176, %parallel_loop3A_460 = %get3A_182) -> (vector<16xi32>, vector<16xi32>, vector<16xi32>, vector<16xi32>, vector<16xi32>, vector<16xi32>, vector<16xi32>, vector<16xi32>)  : i32 {
        %parallel_loop3A_461 = arith.constant 8 : i32
        %parallel_loop3A_462 = arith.divsi %parallel_loop3A_452, %parallel_loop3A_461 : i32
        %parallel_loop3A_463 = arith.constant 0 : i32
        %parallel_loop3A_464 = arith.cmpi sgt, %parallel_loop3A_452, %parallel_loop3A_463 : i32
        %parallel_loop3A_465 = arith.extui %parallel_loop3A_464 : i1 to i32
        %parallel_loop3A_466 = arith.constant 0 : i32
        %parallel_loop3A_467 = arith.cmpi slt, %parallel_loop3A_452, %parallel_loop3A_466 : i32
        %parallel_loop3A_468 = arith.extui %parallel_loop3A_467 : i1 to i32
        %parallel_loop3A_469 = arith.subi %parallel_loop3A_465, %parallel_loop3A_468 : i32
        %parallel_loop3A_470 = arith.constant 0 : i32
        %parallel_loop3A_471 = arith.cmpi sgt, %parallel_loop3A_461, %parallel_loop3A_470 : i32
        %parallel_loop3A_472 = arith.extui %parallel_loop3A_471 : i1 to i32
        %parallel_loop3A_473 = arith.constant 0 : i32
        %parallel_loop3A_474 = arith.cmpi slt, %parallel_loop3A_461, %parallel_loop3A_473 : i32
        %parallel_loop3A_475 = arith.extui %parallel_loop3A_474 : i1 to i32
        %parallel_loop3A_476 = arith.subi %parallel_loop3A_472, %parallel_loop3A_475 : i32
        %parallel_loop3A_477 = arith.cmpi ne, %parallel_loop3A_469, %parallel_loop3A_476 : i32
        %parallel_loop3A_478 = arith.remsi %parallel_loop3A_452, %parallel_loop3A_461 : i32
        %parallel_loop3A_479 = arith.constant 0 : i32
        %parallel_loop3A_480 = arith.cmpi ne, %parallel_loop3A_478, %parallel_loop3A_479 : i32
        %parallel_loop3A_481 = arith.andi %parallel_loop3A_477, %parallel_loop3A_480 : i1
        %parallel_loop3A_482 = arith.constant 1 : i32
        %parallel_loop3A_483 = arith.subi %parallel_loop3A_462, %parallel_loop3A_482 : i32
        %parallel_loop3A_484 = arith.select %parallel_loop3A_481, %parallel_loop3A_483, %parallel_loop3A_462 : i32
        %parallel_loop3A_485 = arith.constant 8 : i32
        %parallel_loop3A_486 = arith.constant 0 : i32
        %parallel_loop3A_487 = arith.cmpi eq, %parallel_loop3A_485, %parallel_loop3A_486 : i32
        %parallel_loop3A_488 = arith.constant 1 : i32
        %parallel_loop3A_489 = arith.select %parallel_loop3A_487, %parallel_loop3A_488, %parallel_loop3A_485 : i32
        %parallel_loop3A_490 = arith.remsi %parallel_loop3A_452, %parallel_loop3A_489 : i32
        %parallel_loop3A_491 = arith.constant 0 : i32
        %parallel_loop3A_492 = arith.cmpi ne, %parallel_loop3A_490, %parallel_loop3A_491 : i32
        %parallel_loop3A_493 = arith.constant 0 : i32
        %parallel_loop3A_494 = arith.cmpi slt, %parallel_loop3A_490, %parallel_loop3A_493 : i32
        %parallel_loop3A_495 = arith.constant 0 : i32
        %parallel_loop3A_496 = arith.cmpi slt, %parallel_loop3A_489, %parallel_loop3A_495 : i32
        %parallel_loop3A_497 = arith.xori %parallel_loop3A_494, %parallel_loop3A_496 : i1
        %parallel_loop3A_498 = arith.andi %parallel_loop3A_497, %parallel_loop3A_492 : i1
        %parallel_loop3A_499 = arith.addi %parallel_loop3A_490, %parallel_loop3A_489 : i32
        %parallel_loop3A_500 = arith.select %parallel_loop3A_498, %parallel_loop3A_499, %parallel_loop3A_490 : i32
        %parallel_loop3A_501 = tpu.vector_load_idx %arg6[%parallel_loop3A_453] : memref<7680xf32, #tpu.memory_space<vmem>>[vector<16xi32>], vector<16xf32>,
        %parallel_loop3A_502 = tpu.vector_load_idx %arg6[%parallel_loop3A_454] : memref<7680xf32, #tpu.memory_space<vmem>>[vector<16xi32>], vector<16xf32>,
        %parallel_loop3A_503 = tpu.vector_load_idx %arg6[%parallel_loop3A_455] : memref<7680xf32, #tpu.memory_space<vmem>>[vector<16xi32>], vector<16xf32>,
        %parallel_loop3A_504 = tpu.vector_load_idx %arg6[%parallel_loop3A_456] : memref<7680xf32, #tpu.memory_space<vmem>>[vector<16xi32>], vector<16xf32>,
        %parallel_loop3A_505 = tpu.vector_load_idx %arg6[%parallel_loop3A_457] : memref<7680xf32, #tpu.memory_space<vmem>>[vector<16xi32>], vector<16xf32>,
        %parallel_loop3A_506 = tpu.vector_load_idx %arg6[%parallel_loop3A_458] : memref<7680xf32, #tpu.memory_space<vmem>>[vector<16xi32>], vector<16xf32>,
        %parallel_loop3A_507 = tpu.vector_load_idx %arg6[%parallel_loop3A_459] : memref<7680xf32, #tpu.memory_space<vmem>>[vector<16xi32>], vector<16xf32>,
        %parallel_loop3A_508 = tpu.vector_load_idx %arg6[%parallel_loop3A_460] : memref<7680xf32, #tpu.memory_space<vmem>>[vector<16xi32>], vector<16xf32>,
        %parallel_loop3A_509 = arith.constant 0 : i32
        %parallel_loop3A_510 = arith.index_cast %parallel_loop3A_509 : i32 to index
        %parallel_loop3A_511 = arith.index_cast %parallel_loop3A_484 : i32 to index
        %parallel_loop3A_512 = arith.index_cast %parallel_loop3A_500 : i32 to index
        %parallel_loop3A_513 = arith.constant 0 : index
        %parallel_loop3A_514 = tpu.vector_load %arg7[%parallel_loop3A_510, %parallel_loop3A_511, %parallel_loop3A_512, %parallel_loop3A_513] {strides = array<i32>} : memref<4x15x8x128xf32, #tpu.memory_space<vmem>>, vector<16xf32>,
        tpu.vector_store %arg7[%parallel_loop3A_510, %parallel_loop3A_511, %parallel_loop3A_512, %parallel_loop3A_513], %parallel_loop3A_501 {strides = array<i32>} : memref<4x15x8x128xf32, #tpu.memory_space<vmem>>, vector<16xf32>,
        %parallel_loop3A_515 = arith.constant 0 : i32
        %parallel_loop3A_516 = arith.index_cast %parallel_loop3A_515 : i32 to index
        %parallel_loop3A_517 = arith.index_cast %parallel_loop3A_484 : i32 to index
        %parallel_loop3A_518 = arith.index_cast %parallel_loop3A_500 : i32 to index
        %parallel_loop3A_519 = arith.constant 16 : index
        %parallel_loop3A_520 = tpu.vector_load %arg7[%parallel_loop3A_516, %parallel_loop3A_517, %parallel_loop3A_518, %parallel_loop3A_519] {strides = array<i32>} : memref<4x15x8x128xf32, #tpu.memory_space<vmem>>, vector<16xf32>,
        tpu.vector_store %arg7[%parallel_loop3A_516, %parallel_loop3A_517, %parallel_loop3A_518, %parallel_loop3A_519], %parallel_loop3A_502 {strides = array<i32>} : memref<4x15x8x128xf32, #tpu.memory_space<vmem>>, vector<16xf32>,
        %parallel_loop3A_521 = arith.constant 0 : i32
        %parallel_loop3A_522 = arith.index_cast %parallel_loop3A_521 : i32 to index
        %parallel_loop3A_523 = arith.index_cast %parallel_loop3A_484 : i32 to index
        %parallel_loop3A_524 = arith.index_cast %parallel_loop3A_500 : i32 to index
        %parallel_loop3A_525 = arith.constant 32 : index
        %parallel_loop3A_526 = tpu.vector_load %arg7[%parallel_loop3A_522, %parallel_loop3A_523, %parallel_loop3A_524, %parallel_loop3A_525] {strides = array<i32>} : memref<4x15x8x128xf32, #tpu.memory_space<vmem>>, vector<16xf32>,
        tpu.vector_store %arg7[%parallel_loop3A_522, %parallel_loop3A_523, %parallel_loop3A_524, %parallel_loop3A_525], %parallel_loop3A_503 {strides = array<i32>} : memref<4x15x8x128xf32, #tpu.memory_space<vmem>>, vector<16xf32>,
        %parallel_loop3A_527 = arith.constant 0 : i32
        %parallel_loop3A_528 = arith.index_cast %parallel_loop3A_527 : i32 to index
        %parallel_loop3A_529 = arith.index_cast %parallel_loop3A_484 : i32 to index
        %parallel_loop3A_530 = arith.index_cast %parallel_loop3A_500 : i32 to index
        %parallel_loop3A_531 = arith.constant 48 : index
        %parallel_loop3A_532 = tpu.vector_load %arg7[%parallel_loop3A_528, %parallel_loop3A_529, %parallel_loop3A_530, %parallel_loop3A_531] {strides = array<i32>} : memref<4x15x8x128xf32, #tpu.memory_space<vmem>>, vector<16xf32>,
        tpu.vector_store %arg7[%parallel_loop3A_528, %parallel_loop3A_529, %parallel_loop3A_530, %parallel_loop3A_531], %parallel_loop3A_504 {strides = array<i32>} : memref<4x15x8x128xf32, #tpu.memory_space<vmem>>, vector<16xf32>,
        %parallel_loop3A_533 = arith.constant 0 : i32
        %parallel_loop3A_534 = arith.index_cast %parallel_loop3A_533 : i32 to index
        %parallel_loop3A_535 = arith.index_cast %parallel_loop3A_484 : i32 to index
        %parallel_loop3A_536 = arith.index_cast %parallel_loop3A_500 : i32 to index
        %parallel_loop3A_537 = arith.constant 64 : index
        %parallel_loop3A_538 = tpu.vector_load %arg7[%parallel_loop3A_534, %parallel_loop3A_535, %parallel_loop3A_536, %parallel_loop3A_537] {strides = array<i32>} : memref<4x15x8x128xf32, #tpu.memory_space<vmem>>, vector<16xf32>,
        tpu.vector_store %arg7[%parallel_loop3A_534, %parallel_loop3A_535, %parallel_loop3A_536, %parallel_loop3A_537], %parallel_loop3A_505 {strides = array<i32>} : memref<4x15x8x128xf32, #tpu.memory_space<vmem>>, vector<16xf32>,
        %parallel_loop3A_539 = arith.constant 0 : i32
        %parallel_loop3A_540 = arith.index_cast %parallel_loop3A_539 : i32 to index
        %parallel_loop3A_541 = arith.index_cast %parallel_loop3A_484 : i32 to index
        %parallel_loop3A_542 = arith.index_cast %parallel_loop3A_500 : i32 to index
        %parallel_loop3A_543 = arith.constant 80 : index
        %parallel_loop3A_544 = tpu.vector_load %arg7[%parallel_loop3A_540, %parallel_loop3A_541, %parallel_loop3A_542, %parallel_loop3A_543] {strides = array<i32>} : memref<4x15x8x128xf32, #tpu.memory_space<vmem>>, vector<16xf32>,
        tpu.vector_store %arg7[%parallel_loop3A_540, %parallel_loop3A_541, %parallel_loop3A_542, %parallel_loop3A_543], %parallel_loop3A_506 {strides = array<i32>} : memref<4x15x8x128xf32, #tpu.memory_space<vmem>>, vector<16xf32>,
        %parallel_loop3A_545 = arith.constant 0 : i32
        %parallel_loop3A_546 = arith.index_cast %parallel_loop3A_545 : i32 to index
        %parallel_loop3A_547 = arith.index_cast %parallel_loop3A_484 : i32 to index
        %parallel_loop3A_548 = arith.index_cast %parallel_loop3A_500 : i32 to index
        %parallel_loop3A_549 = arith.constant 96 : index
        %parallel_loop3A_550 = tpu.vector_load %arg7[%parallel_loop3A_546, %parallel_loop3A_547, %parallel_loop3A_548, %parallel_loop3A_549] {strides = array<i32>} : memref<4x15x8x128xf32, #tpu.memory_space<vmem>>, vector<16xf32>,
        tpu.vector_store %arg7[%parallel_loop3A_546, %parallel_loop3A_547, %parallel_loop3A_548, %parallel_loop3A_549], %parallel_loop3A_507 {strides = array<i32>} : memref<4x15x8x128xf32, #tpu.memory_space<vmem>>, vector<16xf32>,
        %parallel_loop3A_551 = arith.constant 0 : i32
        %parallel_loop3A_552 = arith.index_cast %parallel_loop3A_551 : i32 to index
        %parallel_loop3A_553 = arith.index_cast %parallel_loop3A_484 : i32 to index
        %parallel_loop3A_554 = arith.index_cast %parallel_loop3A_500 : i32 to index
        %parallel_loop3A_555 = arith.constant 112 : index
        %parallel_loop3A_556 = tpu.vector_load %arg7[%parallel_loop3A_552, %parallel_loop3A_553, %parallel_loop3A_554, %parallel_loop3A_555] {strides = array<i32>} : memref<4x15x8x128xf32, #tpu.memory_space<vmem>>, vector<16xf32>,
        tpu.vector_store %arg7[%parallel_loop3A_552, %parallel_loop3A_553, %parallel_loop3A_554, %parallel_loop3A_555], %parallel_loop3A_508 {strides = array<i32>} : memref<4x15x8x128xf32, #tpu.memory_space<vmem>>, vector<16xf32>,
        %parallel_loop3A_557 = arith.constant 64 : i32
        %parallel_loop3A_558 = vector.broadcast %parallel_loop3A_557 : i32 to vector<16xi32>
        %parallel_loop3A_559 = arith.addi %parallel_loop3A_453, %parallel_loop3A_558 : vector<16xi32>
        %parallel_loop3A_560 = arith.constant 64 : i32
        %parallel_loop3A_561 = vector.broadcast %parallel_loop3A_560 : i32 to vector<16xi32>
        %parallel_loop3A_562 = arith.addi %parallel_loop3A_454, %parallel_loop3A_561 : vector<16xi32>
        %parallel_loop3A_563 = arith.constant 64 : i32
        %parallel_loop3A_564 = vector.broadcast %parallel_loop3A_563 : i32 to vector<16xi32>
        %parallel_loop3A_565 = arith.addi %parallel_loop3A_455, %parallel_loop3A_564 : vector<16xi32>
        %parallel_loop3A_566 = arith.constant 64 : i32
        %parallel_loop3A_567 = vector.broadcast %parallel_loop3A_566 : i32 to vector<16xi32>
        %parallel_loop3A_568 = arith.addi %parallel_loop3A_456, %parallel_loop3A_567 : vector<16xi32>
        %parallel_loop3A_569 = arith.constant 64 : i32
        %parallel_loop3A_570 = vector.broadcast %parallel_loop3A_569 : i32 to vector<16xi32>
        %parallel_loop3A_571 = arith.addi %parallel_loop3A_457, %parallel_loop3A_570 : vector<16xi32>
        %parallel_loop3A_572 = arith.constant 64 : i32
        %parallel_loop3A_573 = vector.broadcast %parallel_loop3A_572 : i32 to vector<16xi32>
        %parallel_loop3A_574 = arith.addi %parallel_loop3A_458, %parallel_loop3A_573 : vector<16xi32>
        %parallel_loop3A_575 = arith.constant 64 : i32
        %parallel_loop3A_576 = vector.broadcast %parallel_loop3A_575 : i32 to vector<16xi32>
        %parallel_loop3A_577 = arith.addi %parallel_loop3A_459, %parallel_loop3A_576 : vector<16xi32>
        %parallel_loop3A_578 = arith.constant 64 : i32
        %parallel_loop3A_579 = vector.broadcast %parallel_loop3A_578 : i32 to vector<16xi32>
        %parallel_loop3A_580 = arith.addi %parallel_loop3A_460, %parallel_loop3A_579 : vector<16xi32>
        scf.yield %parallel_loop3A_559, %parallel_loop3A_562, %parallel_loop3A_565, %parallel_loop3A_568, %parallel_loop3A_571, %parallel_loop3A_574, %parallel_loop3A_577, %parallel_loop3A_580 : vector<16xi32>, vector<16xi32>, vector<16xi32>, vector<16xi32>, vector<16xi32>, vector<16xi32>, vector<16xi32>, vector<16xi32>
      } {sc.loop_unroll_factor = 8 : i64, sc.parallel_access}
      %mul3A_186 = arith.constant 15 : i32
      %mul3A_187 = arith.muli %select_n3A, %mul3A_186 : i32
      %dma_start3A = arith.constant 0 : i32
      %dma_start3A_188 = arith.constant 0 : i32
      %dma_start3A_189 = arith.constant 0 : i32
      %dma_start3A_190 = arith.constant 0 : i32
      %dma_start3A_191 = tpu.memref_slice %arg7[%dma_start3A, %dma_start3A_188, %dma_start3A_189, %dma_start3A_190] : memref<4x15x8x128xf32, #tpu.memory_space<vmem>> -> memref<1x15x8x128xf32, #tpu.memory_space<vmem>>
      %dma_start3A_192 = tpu.memref_squeeze %dma_start3A_191 : memref<1x15x8x128xf32, #tpu.memory_space<vmem>> -> memref<15x8x128xf32, #tpu.memory_space<vmem>>
      %dma_start3A_193 = arith.constant 0 : i32
      %dma_start3A_194 = arith.constant 0 : i32
      %dma_start3A_195 = tpu.memref_slice %arg4[%select_n3A_30, %mul3A_187, %add3A_133, %dma_start3A_193, %dma_start3A_194] : memref<4x120x32x8x128xf32, #tpu.memory_space<hbm>> -> memref<1x15x1x8x128xf32, #tpu.memory_space<hbm>>
      %dma_start3A_196 = tpu.memref_squeeze %dma_start3A_195 : memref<1x15x1x8x128xf32, #tpu.memory_space<hbm>> -> memref<15x8x128xf32, #tpu.memory_space<hbm>>
      %dma_start3A_197 = arith.constant 0 : i32
      %dma_start3A_198 = arith.constant 0 : i32
      %dma_start3A_199 = tpu.memref_slice %arg4[%select_n3A_30, %mul3A_187, %add3A_133, %dma_start3A_197, %dma_start3A_198] : memref<4x120x32x8x128xf32, #tpu.memory_space<hbm>> -> memref<1x15x1x8x128xf32, #tpu.memory_space<hbm>>
      %dma_start3A_200 = tpu.memref_squeeze %dma_start3A_199 : memref<1x15x1x8x128xf32, #tpu.memory_space<hbm>> -> memref<15x8x128xf32, #tpu.memory_space<hbm>>
      %dma_start3A_201 = arith.constant 0 : i32
      %dma_start3A_202 = arith.constant 0 : i32
      %dma_start3A_203 = arith.constant 0 : i32
      %dma_start3A_204 = tpu.memref_slice %arg7[%dma_start3A, %dma_start3A_201, %dma_start3A_202, %dma_start3A_203] : memref<4x15x8x128xf32, #tpu.memory_space<vmem>> -> memref<1x15x8x128xf32, #tpu.memory_space<vmem>>
      %dma_start3A_205 = tpu.memref_squeeze %dma_start3A_204 : memref<1x15x8x128xf32, #tpu.memory_space<vmem>> -> memref<15x8x128xf32, #tpu.memory_space<vmem>>
      tpu.enqueue_dma source(%dma_start3A_205 : memref<15x8x128xf32, #tpu.memory_space<vmem>>) target(%dma_start3A_200 : memref<15x8x128xf32, #tpu.memory_space<hbm>>) target_semaphore(%arg8 : memref<!tpu.dma_semaphore, #tpu.memory_space<semaphore_mem>>)
      %mul3A_206 = arith.constant 4 : i32
      %mul3A_207 = arith.muli %scan3A_129, %mul3A_206 : i32
      %add3A_208 = arith.constant 1 : i32
      %add3A_209 = arith.addi %mul3A_207, %add3A_208 : i32
      %ge3A_210 = arith.constant 4 : i32
      %ge3A_211 = arith.cmpi sge, %add3A_209, %ge3A_210 : i32
      %convert_element_type3A_212 = arith.extui %ge3A_211 : i1 to i32
      %cond3A_213 = arith.constant 0 : i32
      %cond3A_214 = arith.cmpi ne, %convert_element_type3A_212, %cond3A_213 : i32
      scf.if %cond3A_214 {
        %mul3A_452 = arith.constant 15 : i32
        %mul3A_453 = arith.muli %select_n3A, %mul3A_452 : i32
        %dma_wait3A_454 = arith.constant 1 : i32
        %dma_wait3A_455 = arith.constant 0 : i32
        %dma_wait3A_456 = arith.constant 0 : i32
        %dma_wait3A_457 = arith.constant 0 : i32
        %dma_wait3A_458 = arith.constant 0 : i32
        %dma_wait3A_459 = tpu.memref_slice %arg7[%dma_wait3A_454, %dma_wait3A_456, %dma_wait3A_457, %dma_wait3A_458] : memref<4x15x8x128xf32, #tpu.memory_space<vmem>> -> memref<1x15x8x128xf32, #tpu.memory_space<vmem>>
        %dma_wait3A_460 = tpu.memref_squeeze %dma_wait3A_459 : memref<1x15x8x128xf32, #tpu.memory_space<vmem>> -> memref<15x8x128xf32, #tpu.memory_space<vmem>>
        %dma_wait3A_461 = arith.constant 0 : i32
        %dma_wait3A_462 = arith.constant 0 : i32
        %dma_wait3A_463 = tpu.memref_slice %arg4[%select_n3A_30, %mul3A_453, %dma_wait3A_455, %dma_wait3A_461, %dma_wait3A_462] : memref<4x120x32x8x128xf32, #tpu.memory_space<hbm>> -> memref<1x15x1x8x128xf32, #tpu.memory_space<hbm>>
        %dma_wait3A_464 = tpu.memref_squeeze %dma_wait3A_463 : memref<1x15x1x8x128xf32, #tpu.memory_space<hbm>> -> memref<15x8x128xf32, #tpu.memory_space<hbm>>
        %dma_wait3A_465 = arith.constant 0 : i32
        %dma_wait3A_466 = arith.constant 0 : i32
        %dma_wait3A_467 = tpu.memref_slice %arg4[%select_n3A_30, %mul3A_453, %dma_wait3A_455, %dma_wait3A_465, %dma_wait3A_466] : memref<4x120x32x8x128xf32, #tpu.memory_space<hbm>> -> memref<1x15x1x8x128xf32, #tpu.memory_space<hbm>>
        %dma_wait3A_468 = tpu.memref_squeeze %dma_wait3A_467 : memref<1x15x1x8x128xf32, #tpu.memory_space<hbm>> -> memref<15x8x128xf32, #tpu.memory_space<hbm>>
        %dma_wait3A_469 = arith.constant 0 : i32
        %dma_wait3A_470 = arith.constant 0 : i32
        %dma_wait3A_471 = arith.constant 0 : i32
        %dma_wait3A_472 = tpu.memref_slice %arg7[%dma_wait3A_454, %dma_wait3A_469, %dma_wait3A_470, %dma_wait3A_471] : memref<4x15x8x128xf32, #tpu.memory_space<vmem>> -> memref<1x15x8x128xf32, #tpu.memory_space<vmem>>
        %dma_wait3A_473 = tpu.memref_squeeze %dma_wait3A_472 : memref<1x15x8x128xf32, #tpu.memory_space<vmem>> -> memref<15x8x128xf32, #tpu.memory_space<vmem>>
        tpu.wait_dma2 semaphore(%arg9 : memref<!tpu.dma_semaphore, #tpu.memory_space<semaphore_mem>>) src(%dma_wait3A_473 : memref<15x8x128xf32, #tpu.memory_space<vmem>>) dst(%dma_wait3A_468 : memref<15x8x128xf32, #tpu.memory_space<hbm>>)
      } else {
      }
      %mul3A_215 = arith.constant 128 : i32
      %mul3A_216 = arith.muli %add3A_209, %mul3A_215 : i32
      %add3A_217 = arith.constant 0 : i32
      %add3A_218 = arith.addi %mul3A_216, %add3A_217 : i32
      %get3A_219 = arith.index_cast %add3A_218 : i32 to index
      %get3A_220 = tpu.vector_load %arg5[%get3A_219] {strides = array<i32>} : memref<4096xi32, #tpu.memory_space<vmem>>, vector<16xi32>,
      %mul3A_221 = arith.constant 128 : i32
      %mul3A_222 = arith.muli %add3A_209, %mul3A_221 : i32
      %add3A_223 = arith.constant 16 : i32
      %add3A_224 = arith.addi %mul3A_222, %add3A_223 : i32
      %get3A_225 = arith.index_cast %add3A_224 : i32 to index
      %get3A_226 = tpu.vector_load %arg5[%get3A_225] {strides = array<i32>} : memref<4096xi32, #tpu.memory_space<vmem>>, vector<16xi32>,
      %mul3A_227 = arith.constant 128 : i32
      %mul3A_228 = arith.muli %add3A_209, %mul3A_227 : i32
      %add3A_229 = arith.constant 32 : i32
      %add3A_230 = arith.addi %mul3A_228, %add3A_229 : i32
      %get3A_231 = arith.index_cast %add3A_230 : i32 to index
      %get3A_232 = tpu.vector_load %arg5[%get3A_231] {strides = array<i32>} : memref<4096xi32, #tpu.memory_space<vmem>>, vector<16xi32>,
      %mul3A_233 = arith.constant 128 : i32
      %mul3A_234 = arith.muli %add3A_209, %mul3A_233 : i32
      %add3A_235 = arith.constant 48 : i32
      %add3A_236 = arith.addi %mul3A_234, %add3A_235 : i32
      %get3A_237 = arith.index_cast %add3A_236 : i32 to index
      %get3A_238 = tpu.vector_load %arg5[%get3A_237] {strides = array<i32>} : memref<4096xi32, #tpu.memory_space<vmem>>, vector<16xi32>,
      %mul3A_239 = arith.constant 128 : i32
      %mul3A_240 = arith.muli %add3A_209, %mul3A_239 : i32
      %add3A_241 = arith.constant 64 : i32
      %add3A_242 = arith.addi %mul3A_240, %add3A_241 : i32
      %get3A_243 = arith.index_cast %add3A_242 : i32 to index
      %get3A_244 = tpu.vector_load %arg5[%get3A_243] {strides = array<i32>} : memref<4096xi32, #tpu.memory_space<vmem>>, vector<16xi32>,
      %mul3A_245 = arith.constant 128 : i32
      %mul3A_246 = arith.muli %add3A_209, %mul3A_245 : i32
      %add3A_247 = arith.constant 80 : i32
      %add3A_248 = arith.addi %mul3A_246, %add3A_247 : i32
      %get3A_249 = arith.index_cast %add3A_248 : i32 to index
      %get3A_250 = tpu.vector_load %arg5[%get3A_249] {strides = array<i32>} : memref<4096xi32, #tpu.memory_space<vmem>>, vector<16xi32>,
      %mul3A_251 = arith.constant 128 : i32
      %mul3A_252 = arith.muli %add3A_209, %mul3A_251 : i32
      %add3A_253 = arith.constant 96 : i32
      %add3A_254 = arith.addi %mul3A_252, %add3A_253 : i32
      %get3A_255 = arith.index_cast %add3A_254 : i32 to index
      %get3A_256 = tpu.vector_load %arg5[%get3A_255] {strides = array<i32>} : memref<4096xi32, #tpu.memory_space<vmem>>, vector<16xi32>,
      %mul3A_257 = arith.constant 128 : i32
      %mul3A_258 = arith.muli %add3A_209, %mul3A_257 : i32
      %add3A_259 = arith.constant 112 : i32
      %add3A_260 = arith.addi %mul3A_258, %add3A_259 : i32
      %get3A_261 = arith.index_cast %add3A_260 : i32 to index
      %get3A_262 = tpu.vector_load %arg5[%get3A_261] {strides = array<i32>} : memref<4096xi32, #tpu.memory_space<vmem>>, vector<16xi32>,
      %parallel_loop3A_263 = arith.constant 0 : i32
      %parallel_loop3A_264 = arith.constant 120 : i32
      %parallel_loop3A_265 = arith.constant 1 : i32
      %parallel_loop3A_266:8 = scf.for %parallel_loop3A_452 = %parallel_loop3A_263 to %parallel_loop3A_264 step %parallel_loop3A_265 iter_args(%parallel_loop3A_453 = %get3A_220, %parallel_loop3A_454 = %get3A_226, %parallel_loop3A_455 = %get3A_232, %parallel_loop3A_456 = %get3A_238, %parallel_loop3A_457 = %get3A_244, %parallel_loop3A_458 = %get3A_250, %parallel_loop3A_459 = %get3A_256, %parallel_loop3A_460 = %get3A_262) -> (vector<16xi32>, vector<16xi32>, vector<16xi32>, vector<16xi32>, vector<16xi32>, vector<16xi32>, vector<16xi32>, vector<16xi32>)  : i32 {
        %parallel_loop3A_461 = arith.constant 8 : i32
        %parallel_loop3A_462 = arith.divsi %parallel_loop3A_452, %parallel_loop3A_461 : i32
        %parallel_loop3A_463 = arith.constant 0 : i32
        %parallel_loop3A_464 = arith.cmpi sgt, %parallel_loop3A_452, %parallel_loop3A_463 : i32
        %parallel_loop3A_465 = arith.extui %parallel_loop3A_464 : i1 to i32
        %parallel_loop3A_466 = arith.constant 0 : i32
        %parallel_loop3A_467 = arith.cmpi slt, %parallel_loop3A_452, %parallel_loop3A_466 : i32
        %parallel_loop3A_468 = arith.extui %parallel_loop3A_467 : i1 to i32
        %parallel_loop3A_469 = arith.subi %parallel_loop3A_465, %parallel_loop3A_468 : i32
        %parallel_loop3A_470 = arith.constant 0 : i32
        %parallel_loop3A_471 = arith.cmpi sgt, %parallel_loop3A_461, %parallel_loop3A_470 : i32
        %parallel_loop3A_472 = arith.extui %parallel_loop3A_471 : i1 to i32
        %parallel_loop3A_473 = arith.constant 0 : i32
        %parallel_loop3A_474 = arith.cmpi slt, %parallel_loop3A_461, %parallel_loop3A_473 : i32
        %parallel_loop3A_475 = arith.extui %parallel_loop3A_474 : i1 to i32
        %parallel_loop3A_476 = arith.subi %parallel_loop3A_472, %parallel_loop3A_475 : i32
        %parallel_loop3A_477 = arith.cmpi ne, %parallel_loop3A_469, %parallel_loop3A_476 : i32
        %parallel_loop3A_478 = arith.remsi %parallel_loop3A_452, %parallel_loop3A_461 : i32
        %parallel_loop3A_479 = arith.constant 0 : i32
        %parallel_loop3A_480 = arith.cmpi ne, %parallel_loop3A_478, %parallel_loop3A_479 : i32
        %parallel_loop3A_481 = arith.andi %parallel_loop3A_477, %parallel_loop3A_480 : i1
        %parallel_loop3A_482 = arith.constant 1 : i32
        %parallel_loop3A_483 = arith.subi %parallel_loop3A_462, %parallel_loop3A_482 : i32
        %parallel_loop3A_484 = arith.select %parallel_loop3A_481, %parallel_loop3A_483, %parallel_loop3A_462 : i32
        %parallel_loop3A_485 = arith.constant 8 : i32
        %parallel_loop3A_486 = arith.constant 0 : i32
        %parallel_loop3A_487 = arith.cmpi eq, %parallel_loop3A_485, %parallel_loop3A_486 : i32
        %parallel_loop3A_488 = arith.constant 1 : i32
        %parallel_loop3A_489 = arith.select %parallel_loop3A_487, %parallel_loop3A_488, %parallel_loop3A_485 : i32
        %parallel_loop3A_490 = arith.remsi %parallel_loop3A_452, %parallel_loop3A_489 : i32
        %parallel_loop3A_491 = arith.constant 0 : i32
        %parallel_loop3A_492 = arith.cmpi ne, %parallel_loop3A_490, %parallel_loop3A_491 : i32
        %parallel_loop3A_493 = arith.constant 0 : i32
        %parallel_loop3A_494 = arith.cmpi slt, %parallel_loop3A_490, %parallel_loop3A_493 : i32
        %parallel_loop3A_495 = arith.constant 0 : i32
        %parallel_loop3A_496 = arith.cmpi slt, %parallel_loop3A_489, %parallel_loop3A_495 : i32
        %parallel_loop3A_497 = arith.xori %parallel_loop3A_494, %parallel_loop3A_496 : i1
        %parallel_loop3A_498 = arith.andi %parallel_loop3A_497, %parallel_loop3A_492 : i1
        %parallel_loop3A_499 = arith.addi %parallel_loop3A_490, %parallel_loop3A_489 : i32
        %parallel_loop3A_500 = arith.select %parallel_loop3A_498, %parallel_loop3A_499, %parallel_loop3A_490 : i32
        %parallel_loop3A_501 = tpu.vector_load_idx %arg6[%parallel_loop3A_453] : memref<7680xf32, #tpu.memory_space<vmem>>[vector<16xi32>], vector<16xf32>,
        %parallel_loop3A_502 = tpu.vector_load_idx %arg6[%parallel_loop3A_454] : memref<7680xf32, #tpu.memory_space<vmem>>[vector<16xi32>], vector<16xf32>,
        %parallel_loop3A_503 = tpu.vector_load_idx %arg6[%parallel_loop3A_455] : memref<7680xf32, #tpu.memory_space<vmem>>[vector<16xi32>], vector<16xf32>,
        %parallel_loop3A_504 = tpu.vector_load_idx %arg6[%parallel_loop3A_456] : memref<7680xf32, #tpu.memory_space<vmem>>[vector<16xi32>], vector<16xf32>,
        %parallel_loop3A_505 = tpu.vector_load_idx %arg6[%parallel_loop3A_457] : memref<7680xf32, #tpu.memory_space<vmem>>[vector<16xi32>], vector<16xf32>,
        %parallel_loop3A_506 = tpu.vector_load_idx %arg6[%parallel_loop3A_458] : memref<7680xf32, #tpu.memory_space<vmem>>[vector<16xi32>], vector<16xf32>,
        %parallel_loop3A_507 = tpu.vector_load_idx %arg6[%parallel_loop3A_459] : memref<7680xf32, #tpu.memory_space<vmem>>[vector<16xi32>], vector<16xf32>,
        %parallel_loop3A_508 = tpu.vector_load_idx %arg6[%parallel_loop3A_460] : memref<7680xf32, #tpu.memory_space<vmem>>[vector<16xi32>], vector<16xf32>,
        %parallel_loop3A_509 = arith.constant 1 : i32
        %parallel_loop3A_510 = arith.index_cast %parallel_loop3A_509 : i32 to index
        %parallel_loop3A_511 = arith.index_cast %parallel_loop3A_484 : i32 to index
        %parallel_loop3A_512 = arith.index_cast %parallel_loop3A_500 : i32 to index
        %parallel_loop3A_513 = arith.constant 0 : index
        %parallel_loop3A_514 = tpu.vector_load %arg7[%parallel_loop3A_510, %parallel_loop3A_511, %parallel_loop3A_512, %parallel_loop3A_513] {strides = array<i32>} : memref<4x15x8x128xf32, #tpu.memory_space<vmem>>, vector<16xf32>,
        tpu.vector_store %arg7[%parallel_loop3A_510, %parallel_loop3A_511, %parallel_loop3A_512, %parallel_loop3A_513], %parallel_loop3A_501 {strides = array<i32>} : memref<4x15x8x128xf32, #tpu.memory_space<vmem>>, vector<16xf32>,
        %parallel_loop3A_515 = arith.constant 1 : i32
        %parallel_loop3A_516 = arith.index_cast %parallel_loop3A_515 : i32 to index
        %parallel_loop3A_517 = arith.index_cast %parallel_loop3A_484 : i32 to index
        %parallel_loop3A_518 = arith.index_cast %parallel_loop3A_500 : i32 to index
        %parallel_loop3A_519 = arith.constant 16 : index
        %parallel_loop3A_520 = tpu.vector_load %arg7[%parallel_loop3A_516, %parallel_loop3A_517, %parallel_loop3A_518, %parallel_loop3A_519] {strides = array<i32>} : memref<4x15x8x128xf32, #tpu.memory_space<vmem>>, vector<16xf32>,
        tpu.vector_store %arg7[%parallel_loop3A_516, %parallel_loop3A_517, %parallel_loop3A_518, %parallel_loop3A_519], %parallel_loop3A_502 {strides = array<i32>} : memref<4x15x8x128xf32, #tpu.memory_space<vmem>>, vector<16xf32>,
        %parallel_loop3A_521 = arith.constant 1 : i32
        %parallel_loop3A_522 = arith.index_cast %parallel_loop3A_521 : i32 to index
        %parallel_loop3A_523 = arith.index_cast %parallel_loop3A_484 : i32 to index
        %parallel_loop3A_524 = arith.index_cast %parallel_loop3A_500 : i32 to index
        %parallel_loop3A_525 = arith.constant 32 : index
        %parallel_loop3A_526 = tpu.vector_load %arg7[%parallel_loop3A_522, %parallel_loop3A_523, %parallel_loop3A_524, %parallel_loop3A_525] {strides = array<i32>} : memref<4x15x8x128xf32, #tpu.memory_space<vmem>>, vector<16xf32>,
        tpu.vector_store %arg7[%parallel_loop3A_522, %parallel_loop3A_523, %parallel_loop3A_524, %parallel_loop3A_525], %parallel_loop3A_503 {strides = array<i32>} : memref<4x15x8x128xf32, #tpu.memory_space<vmem>>, vector<16xf32>,
        %parallel_loop3A_527 = arith.constant 1 : i32
        %parallel_loop3A_528 = arith.index_cast %parallel_loop3A_527 : i32 to index
        %parallel_loop3A_529 = arith.index_cast %parallel_loop3A_484 : i32 to index
        %parallel_loop3A_530 = arith.index_cast %parallel_loop3A_500 : i32 to index
        %parallel_loop3A_531 = arith.constant 48 : index
        %parallel_loop3A_532 = tpu.vector_load %arg7[%parallel_loop3A_528, %parallel_loop3A_529, %parallel_loop3A_530, %parallel_loop3A_531] {strides = array<i32>} : memref<4x15x8x128xf32, #tpu.memory_space<vmem>>, vector<16xf32>,
        tpu.vector_store %arg7[%parallel_loop3A_528, %parallel_loop3A_529, %parallel_loop3A_530, %parallel_loop3A_531], %parallel_loop3A_504 {strides = array<i32>} : memref<4x15x8x128xf32, #tpu.memory_space<vmem>>, vector<16xf32>,
        %parallel_loop3A_533 = arith.constant 1 : i32
        %parallel_loop3A_534 = arith.index_cast %parallel_loop3A_533 : i32 to index
        %parallel_loop3A_535 = arith.index_cast %parallel_loop3A_484 : i32 to index
        %parallel_loop3A_536 = arith.index_cast %parallel_loop3A_500 : i32 to index
        %parallel_loop3A_537 = arith.constant 64 : index
        %parallel_loop3A_538 = tpu.vector_load %arg7[%parallel_loop3A_534, %parallel_loop3A_535, %parallel_loop3A_536, %parallel_loop3A_537] {strides = array<i32>} : memref<4x15x8x128xf32, #tpu.memory_space<vmem>>, vector<16xf32>,
        tpu.vector_store %arg7[%parallel_loop3A_534, %parallel_loop3A_535, %parallel_loop3A_536, %parallel_loop3A_537], %parallel_loop3A_505 {strides = array<i32>} : memref<4x15x8x128xf32, #tpu.memory_space<vmem>>, vector<16xf32>,
        %parallel_loop3A_539 = arith.constant 1 : i32
        %parallel_loop3A_540 = arith.index_cast %parallel_loop3A_539 : i32 to index
        %parallel_loop3A_541 = arith.index_cast %parallel_loop3A_484 : i32 to index
        %parallel_loop3A_542 = arith.index_cast %parallel_loop3A_500 : i32 to index
        %parallel_loop3A_543 = arith.constant 80 : index
        %parallel_loop3A_544 = tpu.vector_load %arg7[%parallel_loop3A_540, %parallel_loop3A_541, %parallel_loop3A_542, %parallel_loop3A_543] {strides = array<i32>} : memref<4x15x8x128xf32, #tpu.memory_space<vmem>>, vector<16xf32>,
        tpu.vector_store %arg7[%parallel_loop3A_540, %parallel_loop3A_541, %parallel_loop3A_542, %parallel_loop3A_543], %parallel_loop3A_506 {strides = array<i32>} : memref<4x15x8x128xf32, #tpu.memory_space<vmem>>, vector<16xf32>,
        %parallel_loop3A_545 = arith.constant 1 : i32
        %parallel_loop3A_546 = arith.index_cast %parallel_loop3A_545 : i32 to index
        %parallel_loop3A_547 = arith.index_cast %parallel_loop3A_484 : i32 to index
        %parallel_loop3A_548 = arith.index_cast %parallel_loop3A_500 : i32 to index
        %parallel_loop3A_549 = arith.constant 96 : index
        %parallel_loop3A_550 = tpu.vector_load %arg7[%parallel_loop3A_546, %parallel_loop3A_547, %parallel_loop3A_548, %parallel_loop3A_549] {strides = array<i32>} : memref<4x15x8x128xf32, #tpu.memory_space<vmem>>, vector<16xf32>,
        tpu.vector_store %arg7[%parallel_loop3A_546, %parallel_loop3A_547, %parallel_loop3A_548, %parallel_loop3A_549], %parallel_loop3A_507 {strides = array<i32>} : memref<4x15x8x128xf32, #tpu.memory_space<vmem>>, vector<16xf32>,
        %parallel_loop3A_551 = arith.constant 1 : i32
        %parallel_loop3A_552 = arith.index_cast %parallel_loop3A_551 : i32 to index
        %parallel_loop3A_553 = arith.index_cast %parallel_loop3A_484 : i32 to index
        %parallel_loop3A_554 = arith.index_cast %parallel_loop3A_500 : i32 to index
        %parallel_loop3A_555 = arith.constant 112 : index
        %parallel_loop3A_556 = tpu.vector_load %arg7[%parallel_loop3A_552, %parallel_loop3A_553, %parallel_loop3A_554, %parallel_loop3A_555] {strides = array<i32>} : memref<4x15x8x128xf32, #tpu.memory_space<vmem>>, vector<16xf32>,
        tpu.vector_store %arg7[%parallel_loop3A_552, %parallel_loop3A_553, %parallel_loop3A_554, %parallel_loop3A_555], %parallel_loop3A_508 {strides = array<i32>} : memref<4x15x8x128xf32, #tpu.memory_space<vmem>>, vector<16xf32>,
        %parallel_loop3A_557 = arith.constant 64 : i32
        %parallel_loop3A_558 = vector.broadcast %parallel_loop3A_557 : i32 to vector<16xi32>
        %parallel_loop3A_559 = arith.addi %parallel_loop3A_453, %parallel_loop3A_558 : vector<16xi32>
        %parallel_loop3A_560 = arith.constant 64 : i32
        %parallel_loop3A_561 = vector.broadcast %parallel_loop3A_560 : i32 to vector<16xi32>
        %parallel_loop3A_562 = arith.addi %parallel_loop3A_454, %parallel_loop3A_561 : vector<16xi32>
        %parallel_loop3A_563 = arith.constant 64 : i32
        %parallel_loop3A_564 = vector.broadcast %parallel_loop3A_563 : i32 to vector<16xi32>
        %parallel_loop3A_565 = arith.addi %parallel_loop3A_455, %parallel_loop3A_564 : vector<16xi32>
        %parallel_loop3A_566 = arith.constant 64 : i32
        %parallel_loop3A_567 = vector.broadcast %parallel_loop3A_566 : i32 to vector<16xi32>
        %parallel_loop3A_568 = arith.addi %parallel_loop3A_456, %parallel_loop3A_567 : vector<16xi32>
        %parallel_loop3A_569 = arith.constant 64 : i32
        %parallel_loop3A_570 = vector.broadcast %parallel_loop3A_569 : i32 to vector<16xi32>
        %parallel_loop3A_571 = arith.addi %parallel_loop3A_457, %parallel_loop3A_570 : vector<16xi32>
        %parallel_loop3A_572 = arith.constant 64 : i32
        %parallel_loop3A_573 = vector.broadcast %parallel_loop3A_572 : i32 to vector<16xi32>
        %parallel_loop3A_574 = arith.addi %parallel_loop3A_458, %parallel_loop3A_573 : vector<16xi32>
        %parallel_loop3A_575 = arith.constant 64 : i32
        %parallel_loop3A_576 = vector.broadcast %parallel_loop3A_575 : i32 to vector<16xi32>
        %parallel_loop3A_577 = arith.addi %parallel_loop3A_459, %parallel_loop3A_576 : vector<16xi32>
        %parallel_loop3A_578 = arith.constant 64 : i32
        %parallel_loop3A_579 = vector.broadcast %parallel_loop3A_578 : i32 to vector<16xi32>
        %parallel_loop3A_580 = arith.addi %parallel_loop3A_460, %parallel_loop3A_579 : vector<16xi32>
        scf.yield %parallel_loop3A_559, %parallel_loop3A_562, %parallel_loop3A_565, %parallel_loop3A_568, %parallel_loop3A_571, %parallel_loop3A_574, %parallel_loop3A_577, %parallel_loop3A_580 : vector<16xi32>, vector<16xi32>, vector<16xi32>, vector<16xi32>, vector<16xi32>, vector<16xi32>, vector<16xi32>, vector<16xi32>
      } {sc.loop_unroll_factor = 8 : i64, sc.parallel_access}
      %mul3A_267 = arith.constant 15 : i32
      %mul3A_268 = arith.muli %select_n3A, %mul3A_267 : i32
      %dma_start3A_269 = arith.constant 1 : i32
      %dma_start3A_270 = arith.constant 0 : i32
      %dma_start3A_271 = arith.constant 0 : i32
      %dma_start3A_272 = arith.constant 0 : i32
      %dma_start3A_273 = tpu.memref_slice %arg7[%dma_start3A_269, %dma_start3A_270, %dma_start3A_271, %dma_start3A_272] : memref<4x15x8x128xf32, #tpu.memory_space<vmem>> -> memref<1x15x8x128xf32, #tpu.memory_space<vmem>>
      %dma_start3A_274 = tpu.memref_squeeze %dma_start3A_273 : memref<1x15x8x128xf32, #tpu.memory_space<vmem>> -> memref<15x8x128xf32, #tpu.memory_space<vmem>>
      %dma_start3A_275 = arith.constant 0 : i32
      %dma_start3A_276 = arith.constant 0 : i32
      %dma_start3A_277 = tpu.memref_slice %arg4[%select_n3A_30, %mul3A_268, %add3A_209, %dma_start3A_275, %dma_start3A_276] : memref<4x120x32x8x128xf32, #tpu.memory_space<hbm>> -> memref<1x15x1x8x128xf32, #tpu.memory_space<hbm>>
      %dma_start3A_278 = tpu.memref_squeeze %dma_start3A_277 : memref<1x15x1x8x128xf32, #tpu.memory_space<hbm>> -> memref<15x8x128xf32, #tpu.memory_space<hbm>>
      %dma_start3A_279 = arith.constant 0 : i32
      %dma_start3A_280 = arith.constant 0 : i32
      %dma_start3A_281 = tpu.memref_slice %arg4[%select_n3A_30, %mul3A_268, %add3A_209, %dma_start3A_279, %dma_start3A_280] : memref<4x120x32x8x128xf32, #tpu.memory_space<hbm>> -> memref<1x15x1x8x128xf32, #tpu.memory_space<hbm>>
      %dma_start3A_282 = tpu.memref_squeeze %dma_start3A_281 : memref<1x15x1x8x128xf32, #tpu.memory_space<hbm>> -> memref<15x8x128xf32, #tpu.memory_space<hbm>>
      %dma_start3A_283 = arith.constant 0 : i32
      %dma_start3A_284 = arith.constant 0 : i32
      %dma_start3A_285 = arith.constant 0 : i32
      %dma_start3A_286 = tpu.memref_slice %arg7[%dma_start3A_269, %dma_start3A_283, %dma_start3A_284, %dma_start3A_285] : memref<4x15x8x128xf32, #tpu.memory_space<vmem>> -> memref<1x15x8x128xf32, #tpu.memory_space<vmem>>
      %dma_start3A_287 = tpu.memref_squeeze %dma_start3A_286 : memref<1x15x8x128xf32, #tpu.memory_space<vmem>> -> memref<15x8x128xf32, #tpu.memory_space<vmem>>
      tpu.enqueue_dma source(%dma_start3A_287 : memref<15x8x128xf32, #tpu.memory_space<vmem>>) target(%dma_start3A_282 : memref<15x8x128xf32, #tpu.memory_space<hbm>>) target_semaphore(%arg9 : memref<!tpu.dma_semaphore, #tpu.memory_space<semaphore_mem>>)
      %mul3A_288 = arith.constant 4 : i32
      %mul3A_289 = arith.muli %scan3A_129, %mul3A_288 : i32
      %add3A_290 = arith.constant 2 : i32
      %add3A_291 = arith.addi %mul3A_289, %add3A_290 : i32
      %ge3A_292 = arith.constant 4 : i32
      %ge3A_293 = arith.cmpi sge, %add3A_291, %ge3A_292 : i32
      %convert_element_type3A_294 = arith.extui %ge3A_293 : i1 to i32
      %cond3A_295 = arith.constant 0 : i32
      %cond3A_296 = arith.cmpi ne, %convert_element_type3A_294, %cond3A_295 : i32
      scf.if %cond3A_296 {
        %mul3A_452 = arith.constant 15 : i32
        %mul3A_453 = arith.muli %select_n3A, %mul3A_452 : i32
        %dma_wait3A_454 = arith.constant 2 : i32
        %dma_wait3A_455 = arith.constant 0 : i32
        %dma_wait3A_456 = arith.constant 0 : i32
        %dma_wait3A_457 = arith.constant 0 : i32
        %dma_wait3A_458 = arith.constant 0 : i32
        %dma_wait3A_459 = tpu.memref_slice %arg7[%dma_wait3A_454, %dma_wait3A_456, %dma_wait3A_457, %dma_wait3A_458] : memref<4x15x8x128xf32, #tpu.memory_space<vmem>> -> memref<1x15x8x128xf32, #tpu.memory_space<vmem>>
        %dma_wait3A_460 = tpu.memref_squeeze %dma_wait3A_459 : memref<1x15x8x128xf32, #tpu.memory_space<vmem>> -> memref<15x8x128xf32, #tpu.memory_space<vmem>>
        %dma_wait3A_461 = arith.constant 0 : i32
        %dma_wait3A_462 = arith.constant 0 : i32
        %dma_wait3A_463 = tpu.memref_slice %arg4[%select_n3A_30, %mul3A_453, %dma_wait3A_455, %dma_wait3A_461, %dma_wait3A_462] : memref<4x120x32x8x128xf32, #tpu.memory_space<hbm>> -> memref<1x15x1x8x128xf32, #tpu.memory_space<hbm>>
        %dma_wait3A_464 = tpu.memref_squeeze %dma_wait3A_463 : memref<1x15x1x8x128xf32, #tpu.memory_space<hbm>> -> memref<15x8x128xf32, #tpu.memory_space<hbm>>
        %dma_wait3A_465 = arith.constant 0 : i32
        %dma_wait3A_466 = arith.constant 0 : i32
        %dma_wait3A_467 = tpu.memref_slice %arg4[%select_n3A_30, %mul3A_453, %dma_wait3A_455, %dma_wait3A_465, %dma_wait3A_466] : memref<4x120x32x8x128xf32, #tpu.memory_space<hbm>> -> memref<1x15x1x8x128xf32, #tpu.memory_space<hbm>>
        %dma_wait3A_468 = tpu.memref_squeeze %dma_wait3A_467 : memref<1x15x1x8x128xf32, #tpu.memory_space<hbm>> -> memref<15x8x128xf32, #tpu.memory_space<hbm>>
        %dma_wait3A_469 = arith.constant 0 : i32
        %dma_wait3A_470 = arith.constant 0 : i32
        %dma_wait3A_471 = arith.constant 0 : i32
        %dma_wait3A_472 = tpu.memref_slice %arg7[%dma_wait3A_454, %dma_wait3A_469, %dma_wait3A_470, %dma_wait3A_471] : memref<4x15x8x128xf32, #tpu.memory_space<vmem>> -> memref<1x15x8x128xf32, #tpu.memory_space<vmem>>
        %dma_wait3A_473 = tpu.memref_squeeze %dma_wait3A_472 : memref<1x15x8x128xf32, #tpu.memory_space<vmem>> -> memref<15x8x128xf32, #tpu.memory_space<vmem>>
        tpu.wait_dma2 semaphore(%arg10 : memref<!tpu.dma_semaphore, #tpu.memory_space<semaphore_mem>>) src(%dma_wait3A_473 : memref<15x8x128xf32, #tpu.memory_space<vmem>>) dst(%dma_wait3A_468 : memref<15x8x128xf32, #tpu.memory_space<hbm>>)
      } else {
      }
      %mul3A_297 = arith.constant 128 : i32
      %mul3A_298 = arith.muli %add3A_291, %mul3A_297 : i32
      %add3A_299 = arith.constant 0 : i32
      %add3A_300 = arith.addi %mul3A_298, %add3A_299 : i32
      %get3A_301 = arith.index_cast %add3A_300 : i32 to index
      %get3A_302 = tpu.vector_load %arg5[%get3A_301] {strides = array<i32>} : memref<4096xi32, #tpu.memory_space<vmem>>, vector<16xi32>,
      %mul3A_303 = arith.constant 128 : i32
      %mul3A_304 = arith.muli %add3A_291, %mul3A_303 : i32
      %add3A_305 = arith.constant 16 : i32
      %add3A_306 = arith.addi %mul3A_304, %add3A_305 : i32
      %get3A_307 = arith.index_cast %add3A_306 : i32 to index
      %get3A_308 = tpu.vector_load %arg5[%get3A_307] {strides = array<i32>} : memref<4096xi32, #tpu.memory_space<vmem>>, vector<16xi32>,
      %mul3A_309 = arith.constant 128 : i32
      %mul3A_310 = arith.muli %add3A_291, %mul3A_309 : i32
      %add3A_311 = arith.constant 32 : i32
      %add3A_312 = arith.addi %mul3A_310, %add3A_311 : i32
      %get3A_313 = arith.index_cast %add3A_312 : i32 to index
      %get3A_314 = tpu.vector_load %arg5[%get3A_313] {strides = array<i32>} : memref<4096xi32, #tpu.memory_space<vmem>>, vector<16xi32>,
      %mul3A_315 = arith.constant 128 : i32
      %mul3A_316 = arith.muli %add3A_291, %mul3A_315 : i32
      %add3A_317 = arith.constant 48 : i32
      %add3A_318 = arith.addi %mul3A_316, %add3A_317 : i32
      %get3A_319 = arith.index_cast %add3A_318 : i32 to index
      %get3A_320 = tpu.vector_load %arg5[%get3A_319] {strides = array<i32>} : memref<4096xi32, #tpu.memory_space<vmem>>, vector<16xi32>,
      %mul3A_321 = arith.constant 128 : i32
      %mul3A_322 = arith.muli %add3A_291, %mul3A_321 : i32
      %add3A_323 = arith.constant 64 : i32
      %add3A_324 = arith.addi %mul3A_322, %add3A_323 : i32
      %get3A_325 = arith.index_cast %add3A_324 : i32 to index
      %get3A_326 = tpu.vector_load %arg5[%get3A_325] {strides = array<i32>} : memref<4096xi32, #tpu.memory_space<vmem>>, vector<16xi32>,
      %mul3A_327 = arith.constant 128 : i32
      %mul3A_328 = arith.muli %add3A_291, %mul3A_327 : i32
      %add3A_329 = arith.constant 80 : i32
      %add3A_330 = arith.addi %mul3A_328, %add3A_329 : i32
      %get3A_331 = arith.index_cast %add3A_330 : i32 to index
      %get3A_332 = tpu.vector_load %arg5[%get3A_331] {strides = array<i32>} : memref<4096xi32, #tpu.memory_space<vmem>>, vector<16xi32>,
      %mul3A_333 = arith.constant 128 : i32
      %mul3A_334 = arith.muli %add3A_291, %mul3A_333 : i32
      %add3A_335 = arith.constant 96 : i32
      %add3A_336 = arith.addi %mul3A_334, %add3A_335 : i32
      %get3A_337 = arith.index_cast %add3A_336 : i32 to index
      %get3A_338 = tpu.vector_load %arg5[%get3A_337] {strides = array<i32>} : memref<4096xi32, #tpu.memory_space<vmem>>, vector<16xi32>,
      %mul3A_339 = arith.constant 128 : i32
      %mul3A_340 = arith.muli %add3A_291, %mul3A_339 : i32
      %add3A_341 = arith.constant 112 : i32
      %add3A_342 = arith.addi %mul3A_340, %add3A_341 : i32
      %get3A_343 = arith.index_cast %add3A_342 : i32 to index
      %get3A_344 = tpu.vector_load %arg5[%get3A_343] {strides = array<i32>} : memref<4096xi32, #tpu.memory_space<vmem>>, vector<16xi32>,
      %parallel_loop3A_345 = arith.constant 0 : i32
      %parallel_loop3A_346 = arith.constant 120 : i32
      %parallel_loop3A_347 = arith.constant 1 : i32
      %parallel_loop3A_348:8 = scf.for %parallel_loop3A_452 = %parallel_loop3A_345 to %parallel_loop3A_346 step %parallel_loop3A_347 iter_args(%parallel_loop3A_453 = %get3A_302, %parallel_loop3A_454 = %get3A_308, %parallel_loop3A_455 = %get3A_314, %parallel_loop3A_456 = %get3A_320, %parallel_loop3A_457 = %get3A_326, %parallel_loop3A_458 = %get3A_332, %parallel_loop3A_459 = %get3A_338, %parallel_loop3A_460 = %get3A_344) -> (vector<16xi32>, vector<16xi32>, vector<16xi32>, vector<16xi32>, vector<16xi32>, vector<16xi32>, vector<16xi32>, vector<16xi32>)  : i32 {
        %parallel_loop3A_461 = arith.constant 8 : i32
        %parallel_loop3A_462 = arith.divsi %parallel_loop3A_452, %parallel_loop3A_461 : i32
        %parallel_loop3A_463 = arith.constant 0 : i32
        %parallel_loop3A_464 = arith.cmpi sgt, %parallel_loop3A_452, %parallel_loop3A_463 : i32
        %parallel_loop3A_465 = arith.extui %parallel_loop3A_464 : i1 to i32
        %parallel_loop3A_466 = arith.constant 0 : i32
        %parallel_loop3A_467 = arith.cmpi slt, %parallel_loop3A_452, %parallel_loop3A_466 : i32
        %parallel_loop3A_468 = arith.extui %parallel_loop3A_467 : i1 to i32
        %parallel_loop3A_469 = arith.subi %parallel_loop3A_465, %parallel_loop3A_468 : i32
        %parallel_loop3A_470 = arith.constant 0 : i32
        %parallel_loop3A_471 = arith.cmpi sgt, %parallel_loop3A_461, %parallel_loop3A_470 : i32
        %parallel_loop3A_472 = arith.extui %parallel_loop3A_471 : i1 to i32
        %parallel_loop3A_473 = arith.constant 0 : i32
        %parallel_loop3A_474 = arith.cmpi slt, %parallel_loop3A_461, %parallel_loop3A_473 : i32
        %parallel_loop3A_475 = arith.extui %parallel_loop3A_474 : i1 to i32
        %parallel_loop3A_476 = arith.subi %parallel_loop3A_472, %parallel_loop3A_475 : i32
        %parallel_loop3A_477 = arith.cmpi ne, %parallel_loop3A_469, %parallel_loop3A_476 : i32
        %parallel_loop3A_478 = arith.remsi %parallel_loop3A_452, %parallel_loop3A_461 : i32
        %parallel_loop3A_479 = arith.constant 0 : i32
        %parallel_loop3A_480 = arith.cmpi ne, %parallel_loop3A_478, %parallel_loop3A_479 : i32
        %parallel_loop3A_481 = arith.andi %parallel_loop3A_477, %parallel_loop3A_480 : i1
        %parallel_loop3A_482 = arith.constant 1 : i32
        %parallel_loop3A_483 = arith.subi %parallel_loop3A_462, %parallel_loop3A_482 : i32
        %parallel_loop3A_484 = arith.select %parallel_loop3A_481, %parallel_loop3A_483, %parallel_loop3A_462 : i32
        %parallel_loop3A_485 = arith.constant 8 : i32
        %parallel_loop3A_486 = arith.constant 0 : i32
        %parallel_loop3A_487 = arith.cmpi eq, %parallel_loop3A_485, %parallel_loop3A_486 : i32
        %parallel_loop3A_488 = arith.constant 1 : i32
        %parallel_loop3A_489 = arith.select %parallel_loop3A_487, %parallel_loop3A_488, %parallel_loop3A_485 : i32
        %parallel_loop3A_490 = arith.remsi %parallel_loop3A_452, %parallel_loop3A_489 : i32
        %parallel_loop3A_491 = arith.constant 0 : i32
        %parallel_loop3A_492 = arith.cmpi ne, %parallel_loop3A_490, %parallel_loop3A_491 : i32
        %parallel_loop3A_493 = arith.constant 0 : i32
        %parallel_loop3A_494 = arith.cmpi slt, %parallel_loop3A_490, %parallel_loop3A_493 : i32
        %parallel_loop3A_495 = arith.constant 0 : i32
        %parallel_loop3A_496 = arith.cmpi slt, %parallel_loop3A_489, %parallel_loop3A_495 : i32
        %parallel_loop3A_497 = arith.xori %parallel_loop3A_494, %parallel_loop3A_496 : i1
        %parallel_loop3A_498 = arith.andi %parallel_loop3A_497, %parallel_loop3A_492 : i1
        %parallel_loop3A_499 = arith.addi %parallel_loop3A_490, %parallel_loop3A_489 : i32
        %parallel_loop3A_500 = arith.select %parallel_loop3A_498, %parallel_loop3A_499, %parallel_loop3A_490 : i32
        %parallel_loop3A_501 = tpu.vector_load_idx %arg6[%parallel_loop3A_453] : memref<7680xf32, #tpu.memory_space<vmem>>[vector<16xi32>], vector<16xf32>,
        %parallel_loop3A_502 = tpu.vector_load_idx %arg6[%parallel_loop3A_454] : memref<7680xf32, #tpu.memory_space<vmem>>[vector<16xi32>], vector<16xf32>,
        %parallel_loop3A_503 = tpu.vector_load_idx %arg6[%parallel_loop3A_455] : memref<7680xf32, #tpu.memory_space<vmem>>[vector<16xi32>], vector<16xf32>,
        %parallel_loop3A_504 = tpu.vector_load_idx %arg6[%parallel_loop3A_456] : memref<7680xf32, #tpu.memory_space<vmem>>[vector<16xi32>], vector<16xf32>,
        %parallel_loop3A_505 = tpu.vector_load_idx %arg6[%parallel_loop3A_457] : memref<7680xf32, #tpu.memory_space<vmem>>[vector<16xi32>], vector<16xf32>,
        %parallel_loop3A_506 = tpu.vector_load_idx %arg6[%parallel_loop3A_458] : memref<7680xf32, #tpu.memory_space<vmem>>[vector<16xi32>], vector<16xf32>,
        %parallel_loop3A_507 = tpu.vector_load_idx %arg6[%parallel_loop3A_459] : memref<7680xf32, #tpu.memory_space<vmem>>[vector<16xi32>], vector<16xf32>,
        %parallel_loop3A_508 = tpu.vector_load_idx %arg6[%parallel_loop3A_460] : memref<7680xf32, #tpu.memory_space<vmem>>[vector<16xi32>], vector<16xf32>,
        %parallel_loop3A_509 = arith.constant 2 : i32
        %parallel_loop3A_510 = arith.index_cast %parallel_loop3A_509 : i32 to index
        %parallel_loop3A_511 = arith.index_cast %parallel_loop3A_484 : i32 to index
        %parallel_loop3A_512 = arith.index_cast %parallel_loop3A_500 : i32 to index
        %parallel_loop3A_513 = arith.constant 0 : index
        %parallel_loop3A_514 = tpu.vector_load %arg7[%parallel_loop3A_510, %parallel_loop3A_511, %parallel_loop3A_512, %parallel_loop3A_513] {strides = array<i32>} : memref<4x15x8x128xf32, #tpu.memory_space<vmem>>, vector<16xf32>,
        tpu.vector_store %arg7[%parallel_loop3A_510, %parallel_loop3A_511, %parallel_loop3A_512, %parallel_loop3A_513], %parallel_loop3A_501 {strides = array<i32>} : memref<4x15x8x128xf32, #tpu.memory_space<vmem>>, vector<16xf32>,
        %parallel_loop3A_515 = arith.constant 2 : i32
        %parallel_loop3A_516 = arith.index_cast %parallel_loop3A_515 : i32 to index
        %parallel_loop3A_517 = arith.index_cast %parallel_loop3A_484 : i32 to index
        %parallel_loop3A_518 = arith.index_cast %parallel_loop3A_500 : i32 to index
        %parallel_loop3A_519 = arith.constant 16 : index
        %parallel_loop3A_520 = tpu.vector_load %arg7[%parallel_loop3A_516, %parallel_loop3A_517, %parallel_loop3A_518, %parallel_loop3A_519] {strides = array<i32>} : memref<4x15x8x128xf32, #tpu.memory_space<vmem>>, vector<16xf32>,
        tpu.vector_store %arg7[%parallel_loop3A_516, %parallel_loop3A_517, %parallel_loop3A_518, %parallel_loop3A_519], %parallel_loop3A_502 {strides = array<i32>} : memref<4x15x8x128xf32, #tpu.memory_space<vmem>>, vector<16xf32>,
        %parallel_loop3A_521 = arith.constant 2 : i32
        %parallel_loop3A_522 = arith.index_cast %parallel_loop3A_521 : i32 to index
        %parallel_loop3A_523 = arith.index_cast %parallel_loop3A_484 : i32 to index
        %parallel_loop3A_524 = arith.index_cast %parallel_loop3A_500 : i32 to index
        %parallel_loop3A_525 = arith.constant 32 : index
        %parallel_loop3A_526 = tpu.vector_load %arg7[%parallel_loop3A_522, %parallel_loop3A_523, %parallel_loop3A_524, %parallel_loop3A_525] {strides = array<i32>} : memref<4x15x8x128xf32, #tpu.memory_space<vmem>>, vector<16xf32>,
        tpu.vector_store %arg7[%parallel_loop3A_522, %parallel_loop3A_523, %parallel_loop3A_524, %parallel_loop3A_525], %parallel_loop3A_503 {strides = array<i32>} : memref<4x15x8x128xf32, #tpu.memory_space<vmem>>, vector<16xf32>,
        %parallel_loop3A_527 = arith.constant 2 : i32
        %parallel_loop3A_528 = arith.index_cast %parallel_loop3A_527 : i32 to index
        %parallel_loop3A_529 = arith.index_cast %parallel_loop3A_484 : i32 to index
        %parallel_loop3A_530 = arith.index_cast %parallel_loop3A_500 : i32 to index
        %parallel_loop3A_531 = arith.constant 48 : index
        %parallel_loop3A_532 = tpu.vector_load %arg7[%parallel_loop3A_528, %parallel_loop3A_529, %parallel_loop3A_530, %parallel_loop3A_531] {strides = array<i32>} : memref<4x15x8x128xf32, #tpu.memory_space<vmem>>, vector<16xf32>,
        tpu.vector_store %arg7[%parallel_loop3A_528, %parallel_loop3A_529, %parallel_loop3A_530, %parallel_loop3A_531], %parallel_loop3A_504 {strides = array<i32>} : memref<4x15x8x128xf32, #tpu.memory_space<vmem>>, vector<16xf32>,
        %parallel_loop3A_533 = arith.constant 2 : i32
        %parallel_loop3A_534 = arith.index_cast %parallel_loop3A_533 : i32 to index
        %parallel_loop3A_535 = arith.index_cast %parallel_loop3A_484 : i32 to index
        %parallel_loop3A_536 = arith.index_cast %parallel_loop3A_500 : i32 to index
        %parallel_loop3A_537 = arith.constant 64 : index
        %parallel_loop3A_538 = tpu.vector_load %arg7[%parallel_loop3A_534, %parallel_loop3A_535, %parallel_loop3A_536, %parallel_loop3A_537] {strides = array<i32>} : memref<4x15x8x128xf32, #tpu.memory_space<vmem>>, vector<16xf32>,
        tpu.vector_store %arg7[%parallel_loop3A_534, %parallel_loop3A_535, %parallel_loop3A_536, %parallel_loop3A_537], %parallel_loop3A_505 {strides = array<i32>} : memref<4x15x8x128xf32, #tpu.memory_space<vmem>>, vector<16xf32>,
        %parallel_loop3A_539 = arith.constant 2 : i32
        %parallel_loop3A_540 = arith.index_cast %parallel_loop3A_539 : i32 to index
        %parallel_loop3A_541 = arith.index_cast %parallel_loop3A_484 : i32 to index
        %parallel_loop3A_542 = arith.index_cast %parallel_loop3A_500 : i32 to index
        %parallel_loop3A_543 = arith.constant 80 : index
        %parallel_loop3A_544 = tpu.vector_load %arg7[%parallel_loop3A_540, %parallel_loop3A_541, %parallel_loop3A_542, %parallel_loop3A_543] {strides = array<i32>} : memref<4x15x8x128xf32, #tpu.memory_space<vmem>>, vector<16xf32>,
        tpu.vector_store %arg7[%parallel_loop3A_540, %parallel_loop3A_541, %parallel_loop3A_542, %parallel_loop3A_543], %parallel_loop3A_506 {strides = array<i32>} : memref<4x15x8x128xf32, #tpu.memory_space<vmem>>, vector<16xf32>,
        %parallel_loop3A_545 = arith.constant 2 : i32
        %parallel_loop3A_546 = arith.index_cast %parallel_loop3A_545 : i32 to index
        %parallel_loop3A_547 = arith.index_cast %parallel_loop3A_484 : i32 to index
        %parallel_loop3A_548 = arith.index_cast %parallel_loop3A_500 : i32 to index
        %parallel_loop3A_549 = arith.constant 96 : index
        %parallel_loop3A_550 = tpu.vector_load %arg7[%parallel_loop3A_546, %parallel_loop3A_547, %parallel_loop3A_548, %parallel_loop3A_549] {strides = array<i32>} : memref<4x15x8x128xf32, #tpu.memory_space<vmem>>, vector<16xf32>,
        tpu.vector_store %arg7[%parallel_loop3A_546, %parallel_loop3A_547, %parallel_loop3A_548, %parallel_loop3A_549], %parallel_loop3A_507 {strides = array<i32>} : memref<4x15x8x128xf32, #tpu.memory_space<vmem>>, vector<16xf32>,
        %parallel_loop3A_551 = arith.constant 2 : i32
        %parallel_loop3A_552 = arith.index_cast %parallel_loop3A_551 : i32 to index
        %parallel_loop3A_553 = arith.index_cast %parallel_loop3A_484 : i32 to index
        %parallel_loop3A_554 = arith.index_cast %parallel_loop3A_500 : i32 to index
        %parallel_loop3A_555 = arith.constant 112 : index
        %parallel_loop3A_556 = tpu.vector_load %arg7[%parallel_loop3A_552, %parallel_loop3A_553, %parallel_loop3A_554, %parallel_loop3A_555] {strides = array<i32>} : memref<4x15x8x128xf32, #tpu.memory_space<vmem>>, vector<16xf32>,
        tpu.vector_store %arg7[%parallel_loop3A_552, %parallel_loop3A_553, %parallel_loop3A_554, %parallel_loop3A_555], %parallel_loop3A_508 {strides = array<i32>} : memref<4x15x8x128xf32, #tpu.memory_space<vmem>>, vector<16xf32>,
        %parallel_loop3A_557 = arith.constant 64 : i32
        %parallel_loop3A_558 = vector.broadcast %parallel_loop3A_557 : i32 to vector<16xi32>
        %parallel_loop3A_559 = arith.addi %parallel_loop3A_453, %parallel_loop3A_558 : vector<16xi32>
        %parallel_loop3A_560 = arith.constant 64 : i32
        %parallel_loop3A_561 = vector.broadcast %parallel_loop3A_560 : i32 to vector<16xi32>
        %parallel_loop3A_562 = arith.addi %parallel_loop3A_454, %parallel_loop3A_561 : vector<16xi32>
        %parallel_loop3A_563 = arith.constant 64 : i32
        %parallel_loop3A_564 = vector.broadcast %parallel_loop3A_563 : i32 to vector<16xi32>
        %parallel_loop3A_565 = arith.addi %parallel_loop3A_455, %parallel_loop3A_564 : vector<16xi32>
        %parallel_loop3A_566 = arith.constant 64 : i32
        %parallel_loop3A_567 = vector.broadcast %parallel_loop3A_566 : i32 to vector<16xi32>
        %parallel_loop3A_568 = arith.addi %parallel_loop3A_456, %parallel_loop3A_567 : vector<16xi32>
        %parallel_loop3A_569 = arith.constant 64 : i32
        %parallel_loop3A_570 = vector.broadcast %parallel_loop3A_569 : i32 to vector<16xi32>
        %parallel_loop3A_571 = arith.addi %parallel_loop3A_457, %parallel_loop3A_570 : vector<16xi32>
        %parallel_loop3A_572 = arith.constant 64 : i32
        %parallel_loop3A_573 = vector.broadcast %parallel_loop3A_572 : i32 to vector<16xi32>
        %parallel_loop3A_574 = arith.addi %parallel_loop3A_458, %parallel_loop3A_573 : vector<16xi32>
        %parallel_loop3A_575 = arith.constant 64 : i32
        %parallel_loop3A_576 = vector.broadcast %parallel_loop3A_575 : i32 to vector<16xi32>
        %parallel_loop3A_577 = arith.addi %parallel_loop3A_459, %parallel_loop3A_576 : vector<16xi32>
        %parallel_loop3A_578 = arith.constant 64 : i32
        %parallel_loop3A_579 = vector.broadcast %parallel_loop3A_578 : i32 to vector<16xi32>
        %parallel_loop3A_580 = arith.addi %parallel_loop3A_460, %parallel_loop3A_579 : vector<16xi32>
        scf.yield %parallel_loop3A_559, %parallel_loop3A_562, %parallel_loop3A_565, %parallel_loop3A_568, %parallel_loop3A_571, %parallel_loop3A_574, %parallel_loop3A_577, %parallel_loop3A_580 : vector<16xi32>, vector<16xi32>, vector<16xi32>, vector<16xi32>, vector<16xi32>, vector<16xi32>, vector<16xi32>, vector<16xi32>
      } {sc.loop_unroll_factor = 8 : i64, sc.parallel_access}
      %mul3A_349 = arith.constant 15 : i32
      %mul3A_350 = arith.muli %select_n3A, %mul3A_349 : i32
      %dma_start3A_351 = arith.constant 2 : i32
      %dma_start3A_352 = arith.constant 0 : i32
      %dma_start3A_353 = arith.constant 0 : i32
      %dma_start3A_354 = arith.constant 0 : i32
      %dma_start3A_355 = tpu.memref_slice %arg7[%dma_start3A_351, %dma_start3A_352, %dma_start3A_353, %dma_start3A_354] : memref<4x15x8x128xf32, #tpu.memory_space<vmem>> -> memref<1x15x8x128xf32, #tpu.memory_space<vmem>>
      %dma_start3A_356 = tpu.memref_squeeze %dma_start3A_355 : memref<1x15x8x128xf32, #tpu.memory_space<vmem>> -> memref<15x8x128xf32, #tpu.memory_space<vmem>>
      %dma_start3A_357 = arith.constant 0 : i32
      %dma_start3A_358 = arith.constant 0 : i32
      %dma_start3A_359 = tpu.memref_slice %arg4[%select_n3A_30, %mul3A_350, %add3A_291, %dma_start3A_357, %dma_start3A_358] : memref<4x120x32x8x128xf32, #tpu.memory_space<hbm>> -> memref<1x15x1x8x128xf32, #tpu.memory_space<hbm>>
      %dma_start3A_360 = tpu.memref_squeeze %dma_start3A_359 : memref<1x15x1x8x128xf32, #tpu.memory_space<hbm>> -> memref<15x8x128xf32, #tpu.memory_space<hbm>>
      %dma_start3A_361 = arith.constant 0 : i32
      %dma_start3A_362 = arith.constant 0 : i32
      %dma_start3A_363 = tpu.memref_slice %arg4[%select_n3A_30, %mul3A_350, %add3A_291, %dma_start3A_361, %dma_start3A_362] : memref<4x120x32x8x128xf32, #tpu.memory_space<hbm>> -> memref<1x15x1x8x128xf32, #tpu.memory_space<hbm>>
      %dma_start3A_364 = tpu.memref_squeeze %dma_start3A_363 : memref<1x15x1x8x128xf32, #tpu.memory_space<hbm>> -> memref<15x8x128xf32, #tpu.memory_space<hbm>>
      %dma_start3A_365 = arith.constant 0 : i32
      %dma_start3A_366 = arith.constant 0 : i32
      %dma_start3A_367 = arith.constant 0 : i32
      %dma_start3A_368 = tpu.memref_slice %arg7[%dma_start3A_351, %dma_start3A_365, %dma_start3A_366, %dma_start3A_367] : memref<4x15x8x128xf32, #tpu.memory_space<vmem>> -> memref<1x15x8x128xf32, #tpu.memory_space<vmem>>
      %dma_start3A_369 = tpu.memref_squeeze %dma_start3A_368 : memref<1x15x8x128xf32, #tpu.memory_space<vmem>> -> memref<15x8x128xf32, #tpu.memory_space<vmem>>
      tpu.enqueue_dma source(%dma_start3A_369 : memref<15x8x128xf32, #tpu.memory_space<vmem>>) target(%dma_start3A_364 : memref<15x8x128xf32, #tpu.memory_space<hbm>>) target_semaphore(%arg10 : memref<!tpu.dma_semaphore, #tpu.memory_space<semaphore_mem>>)
      %mul3A_370 = arith.constant 4 : i32
      %mul3A_371 = arith.muli %scan3A_129, %mul3A_370 : i32
      %add3A_372 = arith.constant 3 : i32
      %add3A_373 = arith.addi %mul3A_371, %add3A_372 : i32
      %ge3A_374 = arith.constant 4 : i32
      %ge3A_375 = arith.cmpi sge, %add3A_373, %ge3A_374 : i32
      %convert_element_type3A_376 = arith.extui %ge3A_375 : i1 to i32
      %cond3A_377 = arith.constant 0 : i32
      %cond3A_378 = arith.cmpi ne, %convert_element_type3A_376, %cond3A_377 : i32
      scf.if %cond3A_378 {
        %mul3A_452 = arith.constant 15 : i32
        %mul3A_453 = arith.muli %select_n3A, %mul3A_452 : i32
        %dma_wait3A_454 = arith.constant 3 : i32
        %dma_wait3A_455 = arith.constant 0 : i32
        %dma_wait3A_456 = arith.constant 0 : i32
        %dma_wait3A_457 = arith.constant 0 : i32
        %dma_wait3A_458 = arith.constant 0 : i32
        %dma_wait3A_459 = tpu.memref_slice %arg7[%dma_wait3A_454, %dma_wait3A_456, %dma_wait3A_457, %dma_wait3A_458] : memref<4x15x8x128xf32, #tpu.memory_space<vmem>> -> memref<1x15x8x128xf32, #tpu.memory_space<vmem>>
        %dma_wait3A_460 = tpu.memref_squeeze %dma_wait3A_459 : memref<1x15x8x128xf32, #tpu.memory_space<vmem>> -> memref<15x8x128xf32, #tpu.memory_space<vmem>>
        %dma_wait3A_461 = arith.constant 0 : i32
        %dma_wait3A_462 = arith.constant 0 : i32
        %dma_wait3A_463 = tpu.memref_slice %arg4[%select_n3A_30, %mul3A_453, %dma_wait3A_455, %dma_wait3A_461, %dma_wait3A_462] : memref<4x120x32x8x128xf32, #tpu.memory_space<hbm>> -> memref<1x15x1x8x128xf32, #tpu.memory_space<hbm>>
        %dma_wait3A_464 = tpu.memref_squeeze %dma_wait3A_463 : memref<1x15x1x8x128xf32, #tpu.memory_space<hbm>> -> memref<15x8x128xf32, #tpu.memory_space<hbm>>
        %dma_wait3A_465 = arith.constant 0 : i32
        %dma_wait3A_466 = arith.constant 0 : i32
        %dma_wait3A_467 = tpu.memref_slice %arg4[%select_n3A_30, %mul3A_453, %dma_wait3A_455, %dma_wait3A_465, %dma_wait3A_466] : memref<4x120x32x8x128xf32, #tpu.memory_space<hbm>> -> memref<1x15x1x8x128xf32, #tpu.memory_space<hbm>>
        %dma_wait3A_468 = tpu.memref_squeeze %dma_wait3A_467 : memref<1x15x1x8x128xf32, #tpu.memory_space<hbm>> -> memref<15x8x128xf32, #tpu.memory_space<hbm>>
        %dma_wait3A_469 = arith.constant 0 : i32
        %dma_wait3A_470 = arith.constant 0 : i32
        %dma_wait3A_471 = arith.constant 0 : i32
        %dma_wait3A_472 = tpu.memref_slice %arg7[%dma_wait3A_454, %dma_wait3A_469, %dma_wait3A_470, %dma_wait3A_471] : memref<4x15x8x128xf32, #tpu.memory_space<vmem>> -> memref<1x15x8x128xf32, #tpu.memory_space<vmem>>
        %dma_wait3A_473 = tpu.memref_squeeze %dma_wait3A_472 : memref<1x15x8x128xf32, #tpu.memory_space<vmem>> -> memref<15x8x128xf32, #tpu.memory_space<vmem>>
        tpu.wait_dma2 semaphore(%arg11 : memref<!tpu.dma_semaphore, #tpu.memory_space<semaphore_mem>>) src(%dma_wait3A_473 : memref<15x8x128xf32, #tpu.memory_space<vmem>>) dst(%dma_wait3A_468 : memref<15x8x128xf32, #tpu.memory_space<hbm>>)
      } else {
      }
      %mul3A_379 = arith.constant 128 : i32
      %mul3A_380 = arith.muli %add3A_373, %mul3A_379 : i32
      %add3A_381 = arith.constant 0 : i32
      %add3A_382 = arith.addi %mul3A_380, %add3A_381 : i32
      %get3A_383 = arith.index_cast %add3A_382 : i32 to index
      %get3A_384 = tpu.vector_load %arg5[%get3A_383] {strides = array<i32>} : memref<4096xi32, #tpu.memory_space<vmem>>, vector<16xi32>,
      %mul3A_385 = arith.constant 128 : i32
      %mul3A_386 = arith.muli %add3A_373, %mul3A_385 : i32
      %add3A_387 = arith.constant 16 : i32
      %add3A_388 = arith.addi %mul3A_386, %add3A_387 : i32
      %get3A_389 = arith.index_cast %add3A_388 : i32 to index
      %get3A_390 = tpu.vector_load %arg5[%get3A_389] {strides = array<i32>} : memref<4096xi32, #tpu.memory_space<vmem>>, vector<16xi32>,
      %mul3A_391 = arith.constant 128 : i32
      %mul3A_392 = arith.muli %add3A_373, %mul3A_391 : i32
      %add3A_393 = arith.constant 32 : i32
      %add3A_394 = arith.addi %mul3A_392, %add3A_393 : i32
      %get3A_395 = arith.index_cast %add3A_394 : i32 to index
      %get3A_396 = tpu.vector_load %arg5[%get3A_395] {strides = array<i32>} : memref<4096xi32, #tpu.memory_space<vmem>>, vector<16xi32>,
      %mul3A_397 = arith.constant 128 : i32
      %mul3A_398 = arith.muli %add3A_373, %mul3A_397 : i32
      %add3A_399 = arith.constant 48 : i32
      %add3A_400 = arith.addi %mul3A_398, %add3A_399 : i32
      %get3A_401 = arith.index_cast %add3A_400 : i32 to index
      %get3A_402 = tpu.vector_load %arg5[%get3A_401] {strides = array<i32>} : memref<4096xi32, #tpu.memory_space<vmem>>, vector<16xi32>,
      %mul3A_403 = arith.constant 128 : i32
      %mul3A_404 = arith.muli %add3A_373, %mul3A_403 : i32
      %add3A_405 = arith.constant 64 : i32
      %add3A_406 = arith.addi %mul3A_404, %add3A_405 : i32
      %get3A_407 = arith.index_cast %add3A_406 : i32 to index
      %get3A_408 = tpu.vector_load %arg5[%get3A_407] {strides = array<i32>} : memref<4096xi32, #tpu.memory_space<vmem>>, vector<16xi32>,
      %mul3A_409 = arith.constant 128 : i32
      %mul3A_410 = arith.muli %add3A_373, %mul3A_409 : i32
      %add3A_411 = arith.constant 80 : i32
      %add3A_412 = arith.addi %mul3A_410, %add3A_411 : i32
      %get3A_413 = arith.index_cast %add3A_412 : i32 to index
      %get3A_414 = tpu.vector_load %arg5[%get3A_413] {strides = array<i32>} : memref<4096xi32, #tpu.memory_space<vmem>>, vector<16xi32>,
      %mul3A_415 = arith.constant 128 : i32
      %mul3A_416 = arith.muli %add3A_373, %mul3A_415 : i32
      %add3A_417 = arith.constant 96 : i32
      %add3A_418 = arith.addi %mul3A_416, %add3A_417 : i32
      %get3A_419 = arith.index_cast %add3A_418 : i32 to index
      %get3A_420 = tpu.vector_load %arg5[%get3A_419] {strides = array<i32>} : memref<4096xi32, #tpu.memory_space<vmem>>, vector<16xi32>,
      %mul3A_421 = arith.constant 128 : i32
      %mul3A_422 = arith.muli %add3A_373, %mul3A_421 : i32
      %add3A_423 = arith.constant 112 : i32
      %add3A_424 = arith.addi %mul3A_422, %add3A_423 : i32
      %get3A_425 = arith.index_cast %add3A_424 : i32 to index
      %get3A_426 = tpu.vector_load %arg5[%get3A_425] {strides = array<i32>} : memref<4096xi32, #tpu.memory_space<vmem>>, vector<16xi32>,
      %parallel_loop3A_427 = arith.constant 0 : i32
      %parallel_loop3A_428 = arith.constant 120 : i32
      %parallel_loop3A_429 = arith.constant 1 : i32
      %parallel_loop3A_430:8 = scf.for %parallel_loop3A_452 = %parallel_loop3A_427 to %parallel_loop3A_428 step %parallel_loop3A_429 iter_args(%parallel_loop3A_453 = %get3A_384, %parallel_loop3A_454 = %get3A_390, %parallel_loop3A_455 = %get3A_396, %parallel_loop3A_456 = %get3A_402, %parallel_loop3A_457 = %get3A_408, %parallel_loop3A_458 = %get3A_414, %parallel_loop3A_459 = %get3A_420, %parallel_loop3A_460 = %get3A_426) -> (vector<16xi32>, vector<16xi32>, vector<16xi32>, vector<16xi32>, vector<16xi32>, vector<16xi32>, vector<16xi32>, vector<16xi32>)  : i32 {
        %parallel_loop3A_461 = arith.constant 8 : i32
        %parallel_loop3A_462 = arith.divsi %parallel_loop3A_452, %parallel_loop3A_461 : i32
        %parallel_loop3A_463 = arith.constant 0 : i32
        %parallel_loop3A_464 = arith.cmpi sgt, %parallel_loop3A_452, %parallel_loop3A_463 : i32
        %parallel_loop3A_465 = arith.extui %parallel_loop3A_464 : i1 to i32
        %parallel_loop3A_466 = arith.constant 0 : i32
        %parallel_loop3A_467 = arith.cmpi slt, %parallel_loop3A_452, %parallel_loop3A_466 : i32
        %parallel_loop3A_468 = arith.extui %parallel_loop3A_467 : i1 to i32
        %parallel_loop3A_469 = arith.subi %parallel_loop3A_465, %parallel_loop3A_468 : i32
        %parallel_loop3A_470 = arith.constant 0 : i32
        %parallel_loop3A_471 = arith.cmpi sgt, %parallel_loop3A_461, %parallel_loop3A_470 : i32
        %parallel_loop3A_472 = arith.extui %parallel_loop3A_471 : i1 to i32
        %parallel_loop3A_473 = arith.constant 0 : i32
        %parallel_loop3A_474 = arith.cmpi slt, %parallel_loop3A_461, %parallel_loop3A_473 : i32
        %parallel_loop3A_475 = arith.extui %parallel_loop3A_474 : i1 to i32
        %parallel_loop3A_476 = arith.subi %parallel_loop3A_472, %parallel_loop3A_475 : i32
        %parallel_loop3A_477 = arith.cmpi ne, %parallel_loop3A_469, %parallel_loop3A_476 : i32
        %parallel_loop3A_478 = arith.remsi %parallel_loop3A_452, %parallel_loop3A_461 : i32
        %parallel_loop3A_479 = arith.constant 0 : i32
        %parallel_loop3A_480 = arith.cmpi ne, %parallel_loop3A_478, %parallel_loop3A_479 : i32
        %parallel_loop3A_481 = arith.andi %parallel_loop3A_477, %parallel_loop3A_480 : i1
        %parallel_loop3A_482 = arith.constant 1 : i32
        %parallel_loop3A_483 = arith.subi %parallel_loop3A_462, %parallel_loop3A_482 : i32
        %parallel_loop3A_484 = arith.select %parallel_loop3A_481, %parallel_loop3A_483, %parallel_loop3A_462 : i32
        %parallel_loop3A_485 = arith.constant 8 : i32
        %parallel_loop3A_486 = arith.constant 0 : i32
        %parallel_loop3A_487 = arith.cmpi eq, %parallel_loop3A_485, %parallel_loop3A_486 : i32
        %parallel_loop3A_488 = arith.constant 1 : i32
        %parallel_loop3A_489 = arith.select %parallel_loop3A_487, %parallel_loop3A_488, %parallel_loop3A_485 : i32
        %parallel_loop3A_490 = arith.remsi %parallel_loop3A_452, %parallel_loop3A_489 : i32
        %parallel_loop3A_491 = arith.constant 0 : i32
        %parallel_loop3A_492 = arith.cmpi ne, %parallel_loop3A_490, %parallel_loop3A_491 : i32
        %parallel_loop3A_493 = arith.constant 0 : i32
        %parallel_loop3A_494 = arith.cmpi slt, %parallel_loop3A_490, %parallel_loop3A_493 : i32
        %parallel_loop3A_495 = arith.constant 0 : i32
        %parallel_loop3A_496 = arith.cmpi slt, %parallel_loop3A_489, %parallel_loop3A_495 : i32
        %parallel_loop3A_497 = arith.xori %parallel_loop3A_494, %parallel_loop3A_496 : i1
        %parallel_loop3A_498 = arith.andi %parallel_loop3A_497, %parallel_loop3A_492 : i1
        %parallel_loop3A_499 = arith.addi %parallel_loop3A_490, %parallel_loop3A_489 : i32
        %parallel_loop3A_500 = arith.select %parallel_loop3A_498, %parallel_loop3A_499, %parallel_loop3A_490 : i32
        %parallel_loop3A_501 = tpu.vector_load_idx %arg6[%parallel_loop3A_453] : memref<7680xf32, #tpu.memory_space<vmem>>[vector<16xi32>], vector<16xf32>,
        %parallel_loop3A_502 = tpu.vector_load_idx %arg6[%parallel_loop3A_454] : memref<7680xf32, #tpu.memory_space<vmem>>[vector<16xi32>], vector<16xf32>,
        %parallel_loop3A_503 = tpu.vector_load_idx %arg6[%parallel_loop3A_455] : memref<7680xf32, #tpu.memory_space<vmem>>[vector<16xi32>], vector<16xf32>,
        %parallel_loop3A_504 = tpu.vector_load_idx %arg6[%parallel_loop3A_456] : memref<7680xf32, #tpu.memory_space<vmem>>[vector<16xi32>], vector<16xf32>,
        %parallel_loop3A_505 = tpu.vector_load_idx %arg6[%parallel_loop3A_457] : memref<7680xf32, #tpu.memory_space<vmem>>[vector<16xi32>], vector<16xf32>,
        %parallel_loop3A_506 = tpu.vector_load_idx %arg6[%parallel_loop3A_458] : memref<7680xf32, #tpu.memory_space<vmem>>[vector<16xi32>], vector<16xf32>,
        %parallel_loop3A_507 = tpu.vector_load_idx %arg6[%parallel_loop3A_459] : memref<7680xf32, #tpu.memory_space<vmem>>[vector<16xi32>], vector<16xf32>,
        %parallel_loop3A_508 = tpu.vector_load_idx %arg6[%parallel_loop3A_460] : memref<7680xf32, #tpu.memory_space<vmem>>[vector<16xi32>], vector<16xf32>,
        %parallel_loop3A_509 = arith.constant 3 : i32
        %parallel_loop3A_510 = arith.index_cast %parallel_loop3A_509 : i32 to index
        %parallel_loop3A_511 = arith.index_cast %parallel_loop3A_484 : i32 to index
        %parallel_loop3A_512 = arith.index_cast %parallel_loop3A_500 : i32 to index
        %parallel_loop3A_513 = arith.constant 0 : index
        %parallel_loop3A_514 = tpu.vector_load %arg7[%parallel_loop3A_510, %parallel_loop3A_511, %parallel_loop3A_512, %parallel_loop3A_513] {strides = array<i32>} : memref<4x15x8x128xf32, #tpu.memory_space<vmem>>, vector<16xf32>,
        tpu.vector_store %arg7[%parallel_loop3A_510, %parallel_loop3A_511, %parallel_loop3A_512, %parallel_loop3A_513], %parallel_loop3A_501 {strides = array<i32>} : memref<4x15x8x128xf32, #tpu.memory_space<vmem>>, vector<16xf32>,
        %parallel_loop3A_515 = arith.constant 3 : i32
        %parallel_loop3A_516 = arith.index_cast %parallel_loop3A_515 : i32 to index
        %parallel_loop3A_517 = arith.index_cast %parallel_loop3A_484 : i32 to index
        %parallel_loop3A_518 = arith.index_cast %parallel_loop3A_500 : i32 to index
        %parallel_loop3A_519 = arith.constant 16 : index
        %parallel_loop3A_520 = tpu.vector_load %arg7[%parallel_loop3A_516, %parallel_loop3A_517, %parallel_loop3A_518, %parallel_loop3A_519] {strides = array<i32>} : memref<4x15x8x128xf32, #tpu.memory_space<vmem>>, vector<16xf32>,
        tpu.vector_store %arg7[%parallel_loop3A_516, %parallel_loop3A_517, %parallel_loop3A_518, %parallel_loop3A_519], %parallel_loop3A_502 {strides = array<i32>} : memref<4x15x8x128xf32, #tpu.memory_space<vmem>>, vector<16xf32>,
        %parallel_loop3A_521 = arith.constant 3 : i32
        %parallel_loop3A_522 = arith.index_cast %parallel_loop3A_521 : i32 to index
        %parallel_loop3A_523 = arith.index_cast %parallel_loop3A_484 : i32 to index
        %parallel_loop3A_524 = arith.index_cast %parallel_loop3A_500 : i32 to index
        %parallel_loop3A_525 = arith.constant 32 : index
        %parallel_loop3A_526 = tpu.vector_load %arg7[%parallel_loop3A_522, %parallel_loop3A_523, %parallel_loop3A_524, %parallel_loop3A_525] {strides = array<i32>} : memref<4x15x8x128xf32, #tpu.memory_space<vmem>>, vector<16xf32>,
        tpu.vector_store %arg7[%parallel_loop3A_522, %parallel_loop3A_523, %parallel_loop3A_524, %parallel_loop3A_525], %parallel_loop3A_503 {strides = array<i32>} : memref<4x15x8x128xf32, #tpu.memory_space<vmem>>, vector<16xf32>,
        %parallel_loop3A_527 = arith.constant 3 : i32
        %parallel_loop3A_528 = arith.index_cast %parallel_loop3A_527 : i32 to index
        %parallel_loop3A_529 = arith.index_cast %parallel_loop3A_484 : i32 to index
        %parallel_loop3A_530 = arith.index_cast %parallel_loop3A_500 : i32 to index
        %parallel_loop3A_531 = arith.constant 48 : index
        %parallel_loop3A_532 = tpu.vector_load %arg7[%parallel_loop3A_528, %parallel_loop3A_529, %parallel_loop3A_530, %parallel_loop3A_531] {strides = array<i32>} : memref<4x15x8x128xf32, #tpu.memory_space<vmem>>, vector<16xf32>,
        tpu.vector_store %arg7[%parallel_loop3A_528, %parallel_loop3A_529, %parallel_loop3A_530, %parallel_loop3A_531], %parallel_loop3A_504 {strides = array<i32>} : memref<4x15x8x128xf32, #tpu.memory_space<vmem>>, vector<16xf32>,
        %parallel_loop3A_533 = arith.constant 3 : i32
        %parallel_loop3A_534 = arith.index_cast %parallel_loop3A_533 : i32 to index
        %parallel_loop3A_535 = arith.index_cast %parallel_loop3A_484 : i32 to index
        %parallel_loop3A_536 = arith.index_cast %parallel_loop3A_500 : i32 to index
        %parallel_loop3A_537 = arith.constant 64 : index
        %parallel_loop3A_538 = tpu.vector_load %arg7[%parallel_loop3A_534, %parallel_loop3A_535, %parallel_loop3A_536, %parallel_loop3A_537] {strides = array<i32>} : memref<4x15x8x128xf32, #tpu.memory_space<vmem>>, vector<16xf32>,
        tpu.vector_store %arg7[%parallel_loop3A_534, %parallel_loop3A_535, %parallel_loop3A_536, %parallel_loop3A_537], %parallel_loop3A_505 {strides = array<i32>} : memref<4x15x8x128xf32, #tpu.memory_space<vmem>>, vector<16xf32>,
        %parallel_loop3A_539 = arith.constant 3 : i32
        %parallel_loop3A_540 = arith.index_cast %parallel_loop3A_539 : i32 to index
        %parallel_loop3A_541 = arith.index_cast %parallel_loop3A_484 : i32 to index
        %parallel_loop3A_542 = arith.index_cast %parallel_loop3A_500 : i32 to index
        %parallel_loop3A_543 = arith.constant 80 : index
        %parallel_loop3A_544 = tpu.vector_load %arg7[%parallel_loop3A_540, %parallel_loop3A_541, %parallel_loop3A_542, %parallel_loop3A_543] {strides = array<i32>} : memref<4x15x8x128xf32, #tpu.memory_space<vmem>>, vector<16xf32>,
        tpu.vector_store %arg7[%parallel_loop3A_540, %parallel_loop3A_541, %parallel_loop3A_542, %parallel_loop3A_543], %parallel_loop3A_506 {strides = array<i32>} : memref<4x15x8x128xf32, #tpu.memory_space<vmem>>, vector<16xf32>,
        %parallel_loop3A_545 = arith.constant 3 : i32
        %parallel_loop3A_546 = arith.index_cast %parallel_loop3A_545 : i32 to index
        %parallel_loop3A_547 = arith.index_cast %parallel_loop3A_484 : i32 to index
        %parallel_loop3A_548 = arith.index_cast %parallel_loop3A_500 : i32 to index
        %parallel_loop3A_549 = arith.constant 96 : index
        %parallel_loop3A_550 = tpu.vector_load %arg7[%parallel_loop3A_546, %parallel_loop3A_547, %parallel_loop3A_548, %parallel_loop3A_549] {strides = array<i32>} : memref<4x15x8x128xf32, #tpu.memory_space<vmem>>, vector<16xf32>,
        tpu.vector_store %arg7[%parallel_loop3A_546, %parallel_loop3A_547, %parallel_loop3A_548, %parallel_loop3A_549], %parallel_loop3A_507 {strides = array<i32>} : memref<4x15x8x128xf32, #tpu.memory_space<vmem>>, vector<16xf32>,
        %parallel_loop3A_551 = arith.constant 3 : i32
        %parallel_loop3A_552 = arith.index_cast %parallel_loop3A_551 : i32 to index
        %parallel_loop3A_553 = arith.index_cast %parallel_loop3A_484 : i32 to index
        %parallel_loop3A_554 = arith.index_cast %parallel_loop3A_500 : i32 to index
        %parallel_loop3A_555 = arith.constant 112 : index
        %parallel_loop3A_556 = tpu.vector_load %arg7[%parallel_loop3A_552, %parallel_loop3A_553, %parallel_loop3A_554, %parallel_loop3A_555] {strides = array<i32>} : memref<4x15x8x128xf32, #tpu.memory_space<vmem>>, vector<16xf32>,
        tpu.vector_store %arg7[%parallel_loop3A_552, %parallel_loop3A_553, %parallel_loop3A_554, %parallel_loop3A_555], %parallel_loop3A_508 {strides = array<i32>} : memref<4x15x8x128xf32, #tpu.memory_space<vmem>>, vector<16xf32>,
        %parallel_loop3A_557 = arith.constant 64 : i32
        %parallel_loop3A_558 = vector.broadcast %parallel_loop3A_557 : i32 to vector<16xi32>
        %parallel_loop3A_559 = arith.addi %parallel_loop3A_453, %parallel_loop3A_558 : vector<16xi32>
        %parallel_loop3A_560 = arith.constant 64 : i32
        %parallel_loop3A_561 = vector.broadcast %parallel_loop3A_560 : i32 to vector<16xi32>
        %parallel_loop3A_562 = arith.addi %parallel_loop3A_454, %parallel_loop3A_561 : vector<16xi32>
        %parallel_loop3A_563 = arith.constant 64 : i32
        %parallel_loop3A_564 = vector.broadcast %parallel_loop3A_563 : i32 to vector<16xi32>
        %parallel_loop3A_565 = arith.addi %parallel_loop3A_455, %parallel_loop3A_564 : vector<16xi32>
        %parallel_loop3A_566 = arith.constant 64 : i32
        %parallel_loop3A_567 = vector.broadcast %parallel_loop3A_566 : i32 to vector<16xi32>
        %parallel_loop3A_568 = arith.addi %parallel_loop3A_456, %parallel_loop3A_567 : vector<16xi32>
        %parallel_loop3A_569 = arith.constant 64 : i32
        %parallel_loop3A_570 = vector.broadcast %parallel_loop3A_569 : i32 to vector<16xi32>
        %parallel_loop3A_571 = arith.addi %parallel_loop3A_457, %parallel_loop3A_570 : vector<16xi32>
        %parallel_loop3A_572 = arith.constant 64 : i32
        %parallel_loop3A_573 = vector.broadcast %parallel_loop3A_572 : i32 to vector<16xi32>
        %parallel_loop3A_574 = arith.addi %parallel_loop3A_458, %parallel_loop3A_573 : vector<16xi32>
        %parallel_loop3A_575 = arith.constant 64 : i32
        %parallel_loop3A_576 = vector.broadcast %parallel_loop3A_575 : i32 to vector<16xi32>
        %parallel_loop3A_577 = arith.addi %parallel_loop3A_459, %parallel_loop3A_576 : vector<16xi32>
        %parallel_loop3A_578 = arith.constant 64 : i32
        %parallel_loop3A_579 = vector.broadcast %parallel_loop3A_578 : i32 to vector<16xi32>
        %parallel_loop3A_580 = arith.addi %parallel_loop3A_460, %parallel_loop3A_579 : vector<16xi32>
        scf.yield %parallel_loop3A_559, %parallel_loop3A_562, %parallel_loop3A_565, %parallel_loop3A_568, %parallel_loop3A_571, %parallel_loop3A_574, %parallel_loop3A_577, %parallel_loop3A_580 : vector<16xi32>, vector<16xi32>, vector<16xi32>, vector<16xi32>, vector<16xi32>, vector<16xi32>, vector<16xi32>, vector<16xi32>
      } {sc.loop_unroll_factor = 8 : i64, sc.parallel_access}
      %mul3A_431 = arith.constant 15 : i32
      %mul3A_432 = arith.muli %select_n3A, %mul3A_431 : i32
      %dma_start3A_433 = arith.constant 3 : i32
      %dma_start3A_434 = arith.constant 0 : i32
      %dma_start3A_435 = arith.constant 0 : i32
      %dma_start3A_436 = arith.constant 0 : i32
      %dma_start3A_437 = tpu.memref_slice %arg7[%dma_start3A_433, %dma_start3A_434, %dma_start3A_435, %dma_start3A_436] : memref<4x15x8x128xf32, #tpu.memory_space<vmem>> -> memref<1x15x8x128xf32, #tpu.memory_space<vmem>>
      %dma_start3A_438 = tpu.memref_squeeze %dma_start3A_437 : memref<1x15x8x128xf32, #tpu.memory_space<vmem>> -> memref<15x8x128xf32, #tpu.memory_space<vmem>>
      %dma_start3A_439 = arith.constant 0 : i32
      %dma_start3A_440 = arith.constant 0 : i32
      %dma_start3A_441 = tpu.memref_slice %arg4[%select_n3A_30, %mul3A_432, %add3A_373, %dma_start3A_439, %dma_start3A_440] : memref<4x120x32x8x128xf32, #tpu.memory_space<hbm>> -> memref<1x15x1x8x128xf32, #tpu.memory_space<hbm>>
      %dma_start3A_442 = tpu.memref_squeeze %dma_start3A_441 : memref<1x15x1x8x128xf32, #tpu.memory_space<hbm>> -> memref<15x8x128xf32, #tpu.memory_space<hbm>>
      %dma_start3A_443 = arith.constant 0 : i32
      %dma_start3A_444 = arith.constant 0 : i32
      %dma_start3A_445 = tpu.memref_slice %arg4[%select_n3A_30, %mul3A_432, %add3A_373, %dma_start3A_443, %dma_start3A_444] : memref<4x120x32x8x128xf32, #tpu.memory_space<hbm>> -> memref<1x15x1x8x128xf32, #tpu.memory_space<hbm>>
      %dma_start3A_446 = tpu.memref_squeeze %dma_start3A_445 : memref<1x15x1x8x128xf32, #tpu.memory_space<hbm>> -> memref<15x8x128xf32, #tpu.memory_space<hbm>>
      %dma_start3A_447 = arith.constant 0 : i32
      %dma_start3A_448 = arith.constant 0 : i32
      %dma_start3A_449 = arith.constant 0 : i32
      %dma_start3A_450 = tpu.memref_slice %arg7[%dma_start3A_433, %dma_start3A_447, %dma_start3A_448, %dma_start3A_449] : memref<4x15x8x128xf32, #tpu.memory_space<vmem>> -> memref<1x15x8x128xf32, #tpu.memory_space<vmem>>
      %dma_start3A_451 = tpu.memref_squeeze %dma_start3A_450 : memref<1x15x8x128xf32, #tpu.memory_space<vmem>> -> memref<15x8x128xf32, #tpu.memory_space<vmem>>
      tpu.enqueue_dma source(%dma_start3A_451 : memref<15x8x128xf32, #tpu.memory_space<vmem>>) target(%dma_start3A_446 : memref<15x8x128xf32, #tpu.memory_space<hbm>>) target_semaphore(%arg11 : memref<!tpu.dma_semaphore, #tpu.memory_space<semaphore_mem>>)
    }
    %scan3A_41 = arith.constant 8 : i32
    %mul3A_42 = arith.constant 15 : i32
    %mul3A_43 = arith.muli %select_n3A, %mul3A_42 : i32
    %dma_wait3A = arith.constant 0 : i32
    %dma_wait3A_44 = arith.constant 0 : i32
    %dma_wait3A_45 = arith.constant 0 : i32
    %dma_wait3A_46 = arith.constant 0 : i32
    %dma_wait3A_47 = arith.constant 0 : i32
    %dma_wait3A_48 = tpu.memref_slice %arg7[%dma_wait3A, %dma_wait3A_45, %dma_wait3A_46, %dma_wait3A_47] : memref<4x15x8x128xf32, #tpu.memory_space<vmem>> -> memref<1x15x8x128xf32, #tpu.memory_space<vmem>>
    %dma_wait3A_49 = tpu.memref_squeeze %dma_wait3A_48 : memref<1x15x8x128xf32, #tpu.memory_space<vmem>> -> memref<15x8x128xf32, #tpu.memory_space<vmem>>
    %dma_wait3A_50 = arith.constant 0 : i32
    %dma_wait3A_51 = arith.constant 0 : i32
    %dma_wait3A_52 = tpu.memref_slice %arg4[%select_n3A_30, %mul3A_43, %dma_wait3A_44, %dma_wait3A_50, %dma_wait3A_51] : memref<4x120x32x8x128xf32, #tpu.memory_space<hbm>> -> memref<1x15x1x8x128xf32, #tpu.memory_space<hbm>>
    %dma_wait3A_53 = tpu.memref_squeeze %dma_wait3A_52 : memref<1x15x1x8x128xf32, #tpu.memory_space<hbm>> -> memref<15x8x128xf32, #tpu.memory_space<hbm>>
    %dma_wait3A_54 = arith.constant 0 : i32
    %dma_wait3A_55 = arith.constant 0 : i32
    %dma_wait3A_56 = tpu.memref_slice %arg4[%select_n3A_30, %mul3A_43, %dma_wait3A_44, %dma_wait3A_54, %dma_wait3A_55] : memref<4x120x32x8x128xf32, #tpu.memory_space<hbm>> -> memref<1x15x1x8x128xf32, #tpu.memory_space<hbm>>
    %dma_wait3A_57 = tpu.memref_squeeze %dma_wait3A_56 : memref<1x15x1x8x128xf32, #tpu.memory_space<hbm>> -> memref<15x8x128xf32, #tpu.memory_space<hbm>>
    %dma_wait3A_58 = arith.constant 0 : i32
    %dma_wait3A_59 = arith.constant 0 : i32
    %dma_wait3A_60 = arith.constant 0 : i32
    %dma_wait3A_61 = tpu.memref_slice %arg7[%dma_wait3A, %dma_wait3A_58, %dma_wait3A_59, %dma_wait3A_60] : memref<4x15x8x128xf32, #tpu.memory_space<vmem>> -> memref<1x15x8x128xf32, #tpu.memory_space<vmem>>
    %dma_wait3A_62 = tpu.memref_squeeze %dma_wait3A_61 : memref<1x15x8x128xf32, #tpu.memory_space<vmem>> -> memref<15x8x128xf32, #tpu.memory_space<vmem>>
    tpu.wait_dma2 semaphore(%arg8 : memref<!tpu.dma_semaphore, #tpu.memory_space<semaphore_mem>>) src(%dma_wait3A_62 : memref<15x8x128xf32, #tpu.memory_space<vmem>>) dst(%dma_wait3A_57 : memref<15x8x128xf32, #tpu.memory_space<hbm>>)
    %mul3A_63 = arith.constant 15 : i32
    %mul3A_64 = arith.muli %select_n3A, %mul3A_63 : i32
    %dma_wait3A_65 = arith.constant 1 : i32
    %dma_wait3A_66 = arith.constant 0 : i32
    %dma_wait3A_67 = arith.constant 0 : i32
    %dma_wait3A_68 = arith.constant 0 : i32
    %dma_wait3A_69 = arith.constant 0 : i32
    %dma_wait3A_70 = tpu.memref_slice %arg7[%dma_wait3A_65, %dma_wait3A_67, %dma_wait3A_68, %dma_wait3A_69] : memref<4x15x8x128xf32, #tpu.memory_space<vmem>> -> memref<1x15x8x128xf32, #tpu.memory_space<vmem>>
    %dma_wait3A_71 = tpu.memref_squeeze %dma_wait3A_70 : memref<1x15x8x128xf32, #tpu.memory_space<vmem>> -> memref<15x8x128xf32, #tpu.memory_space<vmem>>
    %dma_wait3A_72 = arith.constant 0 : i32
    %dma_wait3A_73 = arith.constant 0 : i32
    %dma_wait3A_74 = tpu.memref_slice %arg4[%select_n3A_30, %mul3A_64, %dma_wait3A_66, %dma_wait3A_72, %dma_wait3A_73] : memref<4x120x32x8x128xf32, #tpu.memory_space<hbm>> -> memref<1x15x1x8x128xf32, #tpu.memory_space<hbm>>
    %dma_wait3A_75 = tpu.memref_squeeze %dma_wait3A_74 : memref<1x15x1x8x128xf32, #tpu.memory_space<hbm>> -> memref<15x8x128xf32, #tpu.memory_space<hbm>>
    %dma_wait3A_76 = arith.constant 0 : i32
    %dma_wait3A_77 = arith.constant 0 : i32
    %dma_wait3A_78 = tpu.memref_slice %arg4[%select_n3A_30, %mul3A_64, %dma_wait3A_66, %dma_wait3A_76, %dma_wait3A_77] : memref<4x120x32x8x128xf32, #tpu.memory_space<hbm>> -> memref<1x15x1x8x128xf32, #tpu.memory_space<hbm>>
    %dma_wait3A_79 = tpu.memref_squeeze %dma_wait3A_78 : memref<1x15x1x8x128xf32, #tpu.memory_space<hbm>> -> memref<15x8x128xf32, #tpu.memory_space<hbm>>
    %dma_wait3A_80 = arith.constant 0 : i32
    %dma_wait3A_81 = arith.constant 0 : i32
    %dma_wait3A_82 = arith.constant 0 : i32
    %dma_wait3A_83 = tpu.memref_slice %arg7[%dma_wait3A_65, %dma_wait3A_80, %dma_wait3A_81, %dma_wait3A_82] : memref<4x15x8x128xf32, #tpu.memory_space<vmem>> -> memref<1x15x8x128xf32, #tpu.memory_space<vmem>>
    %dma_wait3A_84 = tpu.memref_squeeze %dma_wait3A_83 : memref<1x15x8x128xf32, #tpu.memory_space<vmem>> -> memref<15x8x128xf32, #tpu.memory_space<vmem>>
    tpu.wait_dma2 semaphore(%arg9 : memref<!tpu.dma_semaphore, #tpu.memory_space<semaphore_mem>>) src(%dma_wait3A_84 : memref<15x8x128xf32, #tpu.memory_space<vmem>>) dst(%dma_wait3A_79 : memref<15x8x128xf32, #tpu.memory_space<hbm>>)
    %mul3A_85 = arith.constant 15 : i32
    %mul3A_86 = arith.muli %select_n3A, %mul3A_85 : i32
    %dma_wait3A_87 = arith.constant 2 : i32
    %dma_wait3A_88 = arith.constant 0 : i32
    %dma_wait3A_89 = arith.constant 0 : i32
    %dma_wait3A_90 = arith.constant 0 : i32
    %dma_wait3A_91 = arith.constant 0 : i32
    %dma_wait3A_92 = tpu.memref_slice %arg7[%dma_wait3A_87, %dma_wait3A_89, %dma_wait3A_90, %dma_wait3A_91] : memref<4x15x8x128xf32, #tpu.memory_space<vmem>> -> memref<1x15x8x128xf32, #tpu.memory_space<vmem>>
    %dma_wait3A_93 = tpu.memref_squeeze %dma_wait3A_92 : memref<1x15x8x128xf32, #tpu.memory_space<vmem>> -> memref<15x8x128xf32, #tpu.memory_space<vmem>>
    %dma_wait3A_94 = arith.constant 0 : i32
    %dma_wait3A_95 = arith.constant 0 : i32
    %dma_wait3A_96 = tpu.memref_slice %arg4[%select_n3A_30, %mul3A_86, %dma_wait3A_88, %dma_wait3A_94, %dma_wait3A_95] : memref<4x120x32x8x128xf32, #tpu.memory_space<hbm>> -> memref<1x15x1x8x128xf32, #tpu.memory_space<hbm>>
    %dma_wait3A_97 = tpu.memref_squeeze %dma_wait3A_96 : memref<1x15x1x8x128xf32, #tpu.memory_space<hbm>> -> memref<15x8x128xf32, #tpu.memory_space<hbm>>
    %dma_wait3A_98 = arith.constant 0 : i32
    %dma_wait3A_99 = arith.constant 0 : i32
    %dma_wait3A_100 = tpu.memref_slice %arg4[%select_n3A_30, %mul3A_86, %dma_wait3A_88, %dma_wait3A_98, %dma_wait3A_99] : memref<4x120x32x8x128xf32, #tpu.memory_space<hbm>> -> memref<1x15x1x8x128xf32, #tpu.memory_space<hbm>>
    %dma_wait3A_101 = tpu.memref_squeeze %dma_wait3A_100 : memref<1x15x1x8x128xf32, #tpu.memory_space<hbm>> -> memref<15x8x128xf32, #tpu.memory_space<hbm>>
    %dma_wait3A_102 = arith.constant 0 : i32
    %dma_wait3A_103 = arith.constant 0 : i32
    %dma_wait3A_104 = arith.constant 0 : i32
    %dma_wait3A_105 = tpu.memref_slice %arg7[%dma_wait3A_87, %dma_wait3A_102, %dma_wait3A_103, %dma_wait3A_104] : memref<4x15x8x128xf32, #tpu.memory_space<vmem>> -> memref<1x15x8x128xf32, #tpu.memory_space<vmem>>
    %dma_wait3A_106 = tpu.memref_squeeze %dma_wait3A_105 : memref<1x15x8x128xf32, #tpu.memory_space<vmem>> -> memref<15x8x128xf32, #tpu.memory_space<vmem>>
    tpu.wait_dma2 semaphore(%arg10 : memref<!tpu.dma_semaphore, #tpu.memory_space<semaphore_mem>>) src(%dma_wait3A_106 : memref<15x8x128xf32, #tpu.memory_space<vmem>>) dst(%dma_wait3A_101 : memref<15x8x128xf32, #tpu.memory_space<hbm>>)
    %mul3A_107 = arith.constant 15 : i32
    %mul3A_108 = arith.muli %select_n3A, %mul3A_107 : i32
    %dma_wait3A_109 = arith.constant 3 : i32
    %dma_wait3A_110 = arith.constant 0 : i32
    %dma_wait3A_111 = arith.constant 0 : i32
    %dma_wait3A_112 = arith.constant 0 : i32
    %dma_wait3A_113 = arith.constant 0 : i32
    %dma_wait3A_114 = tpu.memref_slice %arg7[%dma_wait3A_109, %dma_wait3A_111, %dma_wait3A_112, %dma_wait3A_113] : memref<4x15x8x128xf32, #tpu.memory_space<vmem>> -> memref<1x15x8x128xf32, #tpu.memory_space<vmem>>
    %dma_wait3A_115 = tpu.memref_squeeze %dma_wait3A_114 : memref<1x15x8x128xf32, #tpu.memory_space<vmem>> -> memref<15x8x128xf32, #tpu.memory_space<vmem>>
    %dma_wait3A_116 = arith.constant 0 : i32
    %dma_wait3A_117 = arith.constant 0 : i32
    %dma_wait3A_118 = tpu.memref_slice %arg4[%select_n3A_30, %mul3A_108, %dma_wait3A_110, %dma_wait3A_116, %dma_wait3A_117] : memref<4x120x32x8x128xf32, #tpu.memory_space<hbm>> -> memref<1x15x1x8x128xf32, #tpu.memory_space<hbm>>
    %dma_wait3A_119 = tpu.memref_squeeze %dma_wait3A_118 : memref<1x15x1x8x128xf32, #tpu.memory_space<hbm>> -> memref<15x8x128xf32, #tpu.memory_space<hbm>>
    %dma_wait3A_120 = arith.constant 0 : i32
    %dma_wait3A_121 = arith.constant 0 : i32
    %dma_wait3A_122 = tpu.memref_slice %arg4[%select_n3A_30, %mul3A_108, %dma_wait3A_110, %dma_wait3A_120, %dma_wait3A_121] : memref<4x120x32x8x128xf32, #tpu.memory_space<hbm>> -> memref<1x15x1x8x128xf32, #tpu.memory_space<hbm>>
    %dma_wait3A_123 = tpu.memref_squeeze %dma_wait3A_122 : memref<1x15x1x8x128xf32, #tpu.memory_space<hbm>> -> memref<15x8x128xf32, #tpu.memory_space<hbm>>
    %dma_wait3A_124 = arith.constant 0 : i32
    %dma_wait3A_125 = arith.constant 0 : i32
    %dma_wait3A_126 = arith.constant 0 : i32
    %dma_wait3A_127 = tpu.memref_slice %arg7[%dma_wait3A_109, %dma_wait3A_124, %dma_wait3A_125, %dma_wait3A_126] : memref<4x15x8x128xf32, #tpu.memory_space<vmem>> -> memref<1x15x8x128xf32, #tpu.memory_space<vmem>>
    %dma_wait3A_128 = tpu.memref_squeeze %dma_wait3A_127 : memref<1x15x8x128xf32, #tpu.memory_space<vmem>> -> memref<15x8x128xf32, #tpu.memory_space<vmem>>
    tpu.wait_dma2 semaphore(%arg11 : memref<!tpu.dma_semaphore, #tpu.memory_space<semaphore_mem>>) src(%dma_wait3A_128 : memref<15x8x128xf32, #tpu.memory_space<vmem>>) dst(%dma_wait3A_123 : memref<15x8x128xf32, #tpu.memory_space<hbm>>)
    return
  }
}

</mosaic_0001>

<sc_bundles>
// kernel: kernel.3.cloned.1.call-start
scs
__scs_entry_jumppad:
0x0: {  	(pc) =	sbr.rel $0x88, $3  }
0x1: {  	(tag) =	ssettag $0x0;
	lr =	simm.s32 $0x1  }
0x2: {  	[smem:$0x3F9F] =	sst lr;
	_ =	strace $0xD0000000  }
0x3: {  	_ = 	snop  }
0x4: {  	_ = 	snop  }
0x5: {  	_ = 	snop  }
0x6: {  	_ = 	snop  }
0x7: {  	_ = 	snop  }
__scs_overlays_trampoline_lowered:
0x8: {  	[smem:$0x3FAE] =	sst s0  }
0x9: {  	[smem:$0x3FAF] =	sst s1  }
0xa: {  	[smem:$0x3FB0] =	sst s2  }
0xb: {  	[smem:$0x3FB1] =	sst s3  }
0xc: {  	[smem:$0x3FB2] =	sst s4  }
0xd: {  	[smem:$0x3FB3] =	sst s5  }
0xe: {  	[smem:$0x3FB4] =	sst s6  }
0xf: {  	[smem:$0x3FB5] =	sst s7  }
0x10: {  	[smem:$0x3FB6] =	sst s8  }
0x11: {  	[smem:$0x3FB7] =	sst s9;
	s0 =	simm.s32 @!p0 $0x0  }
0x12: {  	s1 =	sld [smem:$0x3F9D];
	s0 =	simm.s32 @p0 $0x1  }
0x13: {  	[smem:$0x3FB8] =	sst s0;
	s0 =	simm.s32 @!p1 $0x0  }
0x14: {  	s2 =	sld [smem:$0x3F9C];
	s0 =	simm.s32 @p1 $0x1  }
0x15: {  	[smem:$0x3FB9] =	sst s0;
	s0 =	simm.s32 @!p2 $0x0  }
0x16: {  	s3 =	sld [smem:$0x3FDB];
	s0 =	simm.s32 @p2 $0x1  }
0x17: {  	s4 =	simm.s32 $0x1BF5;
	[smem:$0x3FBB] =	sst s0  }
0x18: {  	s0 =	sld [smem:$0x3F9E];
	_ =	swait.ge [sflag:s4], $0x0  }
0x19: {  	s7 =	sld [smem:$0x3F9F]  }
0x1a: {  	s8 =	sadd.s32 $0xFFFFE003, lr  }
0x1b: {  	s9 =	sadd.s32 $0xFFFFFEF7, lr;
	s5 =	simm.s32 $0xFFFFFFFF;
	p2 =	slt.u32 s8, $0xFFFFF086  }
0x1c: {  	p1 =	slt.u32 s9, $0xF7A;
	s5 =	simm.s32 @!p2 $0x0  }
0x1d: {  	s5 =	simm.s32 @p1 $0x1;
	p0 =	seq.s32 s7, s2  }
0x1e: {  	s7 =	smul.u32 @!p0 $0xF7A, s2;
	p2 =	seq.s32 @!p0 s5, $0x0  }
0x1f: {  	s9 =	smul.u32 $0xF7A, s1;
	s8 =	simm.s32 @!p0 $0x1BF5;
	p2 =	por !p2, p0  }
0x20: {  	[sflag:s8] =	ssyncset.s32 @!p0 $0xFFFFF086;
	s6 =	sadd.s32 @!p0 s3, s7;
	s7 =	simm.s32 @!p0 $0x108  }
0x21: {  	s3 =	sadd.s32 s3, s9;
	s6 =	sadd.s32 @!p0 $0x88, s6;
	s7 =	simm.s32 @p2 $0x1082  }
0x22: {  	[simem:s7], [sflag:s8] =	dma.local @!p0 [hbm:s6], $0xF7A  }
0x23: {  	s9 =	sor.u32 $0xD0000000, s2;
	s6 =	simm.s32 $0x108;
	_ =	swait.ge @!p0 [sflag:s8], $0x0  }
0x24: {  	s3 =	sadd.s32 $0x88, s3;
	s6 =	simm.s32 @!p1 $0x1082;
	[sflag:s4] =	ssyncset.s32 $0xFFFFF086  }
0x25: {  	[simem:s6], [sflag:s4] =	dma.local [hbm:s3], $0xF7A  }
0x26: {  	[smem:$0x3F9F] =	sst s1;
	(tag) =	ssettag s2;
	_ =	strace s9  }
0x27: {  	s1 =	sld [smem:$0x3FAF]  }
0x28: {  	s2 =	sld [smem:$0x3FB0]  }
0x29: {  	s4 =	sld [smem:$0x3FB2]  }
0x2a: {  	p0 =	seq.s32 s5, $0x0;
	s5 =	sld [smem:$0x3FB3]  }
0x2b: {  	s6 =	sld [smem:$0x3FB4]  }
0x2c: {  	s7 =	sld [smem:$0x3FB5]  }
0x2d: {  	s3 =	simm.s32 $0x108;
	s8 =	sld [smem:$0x3FB6]  }
0x2e: {  	s3 =	simm.s32 @!p0 $0x1082;
	s9 =	sld [smem:$0x3FB7]  }
0x2f: {  	lr =	sadd.s32 s0, s3;
	s0 =	sld [smem:$0x3FAE]  }
0x30: {  	s3 =	sld [smem:$0x3FB1]  }
0x31: {  	[smem:$0x3FBA] =	sst s10  }
0x32: {  	s10 =	sld [smem:$0x3FB8];
	_ =	sdelay $0x3  }
0x33: {  	p0 =	seq.s32 s10, $0x1;
	s10 =	sld [smem:$0x3FBA];
	_ =	sdelay $0x3  }
0x34: {  	[smem:$0x3FBA] =	sst s10  }
0x35: {  	s10 =	sld [smem:$0x3FB9];
	_ =	sdelay $0x3  }
0x36: {  	p1 =	seq.s32 s10, $0x1;
	s10 =	sld [smem:$0x3FBA];
	_ =	sdelay $0x3  }
0x37: {  	[smem:$0x3FBA] =	sst s10  }
0x38: {  	s10 =	sld [smem:$0x3FBB]  }
0x39: {  	_ = 	snop;
	(pc) =	sbr.ind lr, $3  }
0x3a: {  	_ = 	snop  }
0x3b: {  	_ = 	snop  }
0x3c: {  	p2 =	seq.s32 s10, $0x1;
	s10 =	sld [smem:$0x3FBA]  }
0x3d: {  	_ =	shalt  }
0x3e: {  	_ =	shalt  }
0x3f: {  	_ =	shalt  }
0x40: {  	_ =	shalt  }
0x41: {  	_ =	shalt  }
0x42: {  	_ =	shalt  }
0x43: {  	_ =	shalt  }
0x44: {  	_ =	shalt  }
0x45: {  	_ =	shalt  }
0x46: {  	_ =	shalt  }
0x47: {  	_ =	shalt  }
0x48: {  	_ =	shalt  }
0x49: {  	_ =	shalt  }
0x4a: {  	_ =	shalt  }
0x4b: {  	_ =	shalt  }
0x4c: {  	_ =	shalt  }
0x4d: {  	_ =	shalt  }
0x4e: {  	_ =	shalt  }
0x4f: {  	_ =	shalt  }
0x50: {  	_ =	shalt  }
0x51: {  	_ =	shalt  }
0x52: {  	_ =	shalt  }
0x53: {  	_ =	shalt  }
0x54: {  	_ =	shalt  }
0x55: {  	_ =	shalt  }
0x56: {  	_ =	shalt  }
0x57: {  	_ =	shalt  }
0x58: {  	_ =	shalt  }
0x59: {  	_ =	shalt  }
0x5a: {  	_ =	shalt  }
0x5b: {  	_ =	shalt  }
0x5c: {  	_ =	shalt  }
0x5d: {  	_ =	shalt  }
0x5e: {  	_ =	shalt  }
0x5f: {  	_ =	shalt  }
0x60: {  	_ =	shalt  }
0x61: {  	_ =	shalt  }
0x62: {  	_ =	shalt  }
0x63: {  	_ =	shalt  }
0x64: {  	_ =	shalt  }
0x65: {  	_ =	shalt  }
0x66: {  	_ =	shalt  }
0x67: {  	_ =	shalt  }
0x68: {  	_ =	shalt  }
0x69: {  	_ =	shalt  }
0x6a: {  	_ =	shalt  }
0x6b: {  	_ =	shalt  }
0x6c: {  	_ =	shalt  }
0x6d: {  	_ =	shalt  }
0x6e: {  	_ =	shalt  }
0x6f: {  	_ =	shalt  }
0x70: {  	_ =	shalt  }
0x71: {  	_ =	shalt  }
0x72: {  	_ =	shalt  }
0x73: {  	_ =	shalt  }
0x74: {  	_ =	shalt  }
0x75: {  	_ =	shalt  }
0x76: {  	_ =	shalt  }
0x77: {  	_ =	shalt  }
0x78: {  	_ =	shalt  }
0x79: {  	_ =	shalt  }
0x7a: {  	_ =	shalt  }
0x7b: {  	_ =	shalt  }
0x7c: {  	_ =	shalt  }
0x7d: {  	_ =	shalt  }
0x7e: {  	_ =	shalt  }
0x7f: {  	_ =	shalt  }
0x80: {  	_ =	shalt  }
0x81: {  	_ =	shalt  }
0x82: {  	_ =	shalt  }
0x83: {  	_ =	shalt  }
0x84: {  	_ =	shalt  }
0x85: {  	_ =	shalt  }
0x86: {  	_ =	shalt  }
0x87: {  	_ =	shalt  }
.Lfunc_end0:
.L_simem_size_0:
called_computation_lowered:
.L_overlay_start_0:
0x88: {  	s2 =	sld [smem:$0x3FD9]  }
0x89: {  	s3 =	sld [smem:$0x3FFE];
	_ =	sdelay $0x1  }
0x8a: {  	s1 =	srdreg.scid  }
0x8b: {  	s0 =	sand.u32 $0x1, s1  }
0x8c: {  	s14 =	sshll.u32 s0, $0xA;
	s2 =	sadd.s32 s3, s2  }
0x8d: {  	s2 =	sadd.s32 s2, s14  }
0x8e: {  	[smem:$0x3FC6] =	sst s2  }
0x8f: {  	_ = 	snop  }
0x90: {  	s2 =	sld [smem:$0x3FD0];
	_ =	sdelay $0x2  }
0x91: {  	s15 =	simm.s32 $0xA;
	s4 =	simm.s32 $0x10  }
0x92: {  	[smem:s4], [sflag:s15] =	dma.local [hbm:s2], $0x1  }
0x93: {  	_ =	swait.eq [sflag:s15], $0x1  }
0x94: {  	[sflag:s15] =	ssyncset.done $0x0  }
0x95: {  	s16 =	sld [smem:$0x10];
	[sflag:s15] =	ssyncadd.s32 $0xFFFFFFFF  }
0x96: {  	s17 =	sld [smem:$0x11];
	(tm) =	ssettm $0x1  }
0x97: {  	s18 =	sld [smem:$0x3FFB];
	_ =	sdelay $0x3  }
0x98: {  	_ =	strace s18  }
0x99: {  	s4 =	sld [smem:$0x3FFC];
	_ =	sdelay $0x3  }
0x9a: {  	_ =	strace s4  }
0x9b: {  	s4 =	sld [smem:$0x3FFD];
	_ =	sdelay $0x3  }
0x9c: {  	_ =	strace s4  }
0x9d: {  	_ =	strace $0x8FFFFFFF  }
0x9e: {  	s19 =	sld [smem:$0x3FDB];
	_ =	sdelay $0x1  }
0x9f: {  	s5 =	simm.s32 $_scs_section_size  }
0xa0: {  	s6 =	simm.s32 $_size__tile_overlayer_lowered;
	s7 =	simm.s32 $_tile_overlayer_lowered  }
0xa1: {  	s22 =	simm.s32 $0x1BFF;
	s21 =	sshll.u32 s7, $0x1;
	s4 =	sadd.s32 s5, s19  }
0xa2: {  	s8 =	simm.s32 $0x0;
	s20 =	sshll.u32 s6, $0x1;
	s6 =	sadd.s32 s21, s4  }
0xa3: {  	[timem:s8], [sflag:s22] =	dma.local [hbm:s6], s20  }
0xa4: {  	_ =	swait.ge [sflag:s22], s20  }
0xa5: {  	s5 =	ssub.s32 $0x0, s20;
	[sflag:s22] =	ssyncset.done $0x0  }
0xa6: {  	[sflag:s22] =	ssyncadd.s32 s5;
	_ =	sdelay $0x1  }
0xa7: {  	s23 =	simm.s32 $0x1B8B  }
0xa8: {  	_ =	swait.ge [sflag:s23], $0x1  }
0xa9: {  	[sflag:s23] =	ssyncset.done $0x0  }
0xaa: {  	s25 =	simm.s32 $0x1B8E;
	s24 =	sld [smem:$0x3FFE];
	[sflag:s23] =	ssyncadd.s32 $0xFFFFFFFF  }
0xab: {  	s26 =	simm.s32 $execute0_lowered;
	[smem:$0x3FD2] =	sst s25  }
0xac: {  	s6 =	sshll.u32 s26, $0x1;
	_ =	strace $0x80000046;
	[dreg:$0x1] =	wrdreg $0xFFFFFFFF  }
0xad: {  	s28 =	simm.s32 $_size_execute0_lowered;
	s4 =	sadd.s32 s4, s6;
	[dreg:$0x0] =	wrdreg $0x0  }
0xae: {  	s6 =	sshll.u32 s28, $0x1;
	[dreg:$0x2] =	wrdreg s4  }
0xaf: {  	[dreg:$0x3] =	wrdreg s6  }
0xb0: {  	[dreg:$0x4] =	wrdreg $0xC0  }
0xb1: {  	_ =	task [dreg:s8], $0x5FFFF  }
0xb2: {  	[dreg:$0x1] =	wrdreg $0xFFFFFFFF  }
0xb3: {  	[dreg:$0x0] =	wrdreg $0x60  }
0xb4: {  	[dreg:$0x2] =	wrdreg s16  }
0xb5: {  	[dreg:$0x3] =	wrdreg s24  }
0xb6: {  	[dreg:$0x4] =	wrdreg s17  }
0xb7: {  	[dreg:$0x5] =	wrdreg $0x9  }
0xb8: {  	_ =	task.clear_ibuf [dreg:s8], $0x6FFFF;
	_ =	strace $0x90000046  }
0xb9: {  	s29 =	simm.s32 $0x9;
	_ =	strace $0x80000048  }
0xba: {  	_ =	swait.ge [sflag:s29], $0x1  }
0xbb: {  	[sflag:s29] =	ssyncadd.s32 $0xFFFFFFFF  }
0xbc: {  	_ =	strace $0x90000048  }
0xbd: {  	_ =	sfence  }
0xbe: {  	s30 =	sld [smem:$0x0];
	_ =	sdelay $0x2  }
0xbf: {  	s31 =	sshll.u32 s1, $0xD;
	s1 =	sshrl.u32 s1, $0x2  }
0xc0: {  	s3 =	sand.u32 $0x4000, s31;
	s1 =	sadd.s32 s1, s30  }
0xc1: {  	s0 =	sor.u32 s3, s0;
	s1 =	sshll.u32 s1, $0x11  }
0xc2: {  	s0 =	sor.u32 s1, s0  }
0xc3: {  	s0 =	sadd.s32 $0x8F2B, s0  }
0xc4: {  	[sflag:s0] =	ssyncadd.remote.s32 $0x1  }
0xc5: {  	_ =	sfence.sel $0xFFFF  }
0xc6: {  	[dreg:$0x0] =	wrdreg $0xFFFFFFFF;
	(pc) =	sbr.abs _section_cstart, $3  }
0xc7: {  	[dreg:$0x1] =	wrdreg $0xFFFFFFFF  }
0xc8: {  	_ =	task.clear_ibuf [dreg:s8], $0x2FFFF;
	_ =	strace $0x9FFFFFFF  }
0xc9: {  	(tm) =	ssettm $0x7FFFFFFF  }
tec
execute0_lowered:
.L_overlay_start_1:
0x0: {  	(tag) =	ssettag $0x1  }
0x1: {  	s5 =	rddreg [dreg:$0x0]  }
0x2: {  	s4 =	rddreg [dreg:$0x1]  }
0x3: {  	s2 =	rddreg [dreg:$0x2]  }
0x4: {  	s0 =	rddreg [dreg:$0x3];
	s3 =	simm.s32 $0x0;
	s1 =	stileid.u32  }
0x5: {  	s6 =	srdreg.scid;
	s11 =	simm.s32 $0x8000;
	s12 =	simm.s32 $0x2E00  }
0x6: {  	s13 =	simm.s32 $0x6A00;
	s14 =	simm.s32 $0xA600;
	s15 =	simm.s32 $0xE200  }
0x7: {  	s16 =	simm.s32 $0x1;
	s17 =	simm.s32 $0x2;
	s18 =	simm.s32 $0x3  }
0x8: {  	s19 =	simm.s32 $0x4;
	s20 =	simm.s32 $0x0;
	[smem:$0x7FF] =	sst s3  }
0x9: {  	s7 =	sshll.u32 s1, $0x1;
	s6 =	sand.u32 $0x1, s6;
	s8 =	sshrl.u32 s1, $0x1  }
0xa: {  	s7 =	sand.u32 $0x2, s7;
	_ =	strace $0x80000047;
	s9 =	smul.u32 $0x3C0, s8  }
0xb: {  	s8 =	smul.u32 $0x78000, s8;
	s7 =	sor.u32 s6, s7;
	s6 =	ssub.s32 $0x2, s6  }
0xc: {  	s10 =	sshll.u32 s7, $0x9;
	s7 =	smul.u32 $0x3C0000, s7;
	s31 =	sshrl.u32 s6, $0x1  }
0xd: {  	s5 =	sadd.s32 s5, s9;
	s9 =	simm.s32 $0x1000;
	s4 =	sadd.s32 s10, s4  }
0xe: {  	s10 =	ssub.s32 s6, s31;
	s4 =	sadd.s32 $0x400, s4;
	s6 =	sadd.s32 s8, s7  }
0xf: {  	s7 =	smax.u32 s10, $0x1;
	s8 =	simm.s32 $0x5;
	s10 =	simm.s32 $0x400  }
.LBB2_1:
0x10: {  	[tilespmem:s3], [sflag:$0x5] =	stream.linear.gather [hbm4b:s4+s3], $0x1000, $0x38;
	[tilespmem:$0x11E00] =	vst v63  }
0x11: {  	_ =	swait.ge [sflag:s8], $0x1000  }
0x12: {  	[sflag:s8] =	ssyncset.done $0x0  }
0x13: {  	[sflag:s8] =	ssyncadd.s32 $0xFFFFF000  }
0x14: {  	[tilespmem:s9], [sflag:$0x5] =	stream.linear.gather [hbm4b:s5+s3], $0x1E00, $0x38;
	[tilespmem:$0x11E00] =	vst v63  }
0x15: {  	_ =	swait.ge [sflag:s8], $0x1E00  }
0x16: {  	[sflag:s8] =	ssyncset.done $0x0  }
0x17: {  	s21 =	simm.s32 $0x0;
	[sflag:s8] =	ssyncadd.s32 $0xFFFFE200  }
.LBB2_2:
0x18: {  	p0 =	seq.s32 s21, $0x0  }
0x19: {  	s22 =	simm.s32 @!p0 $0x1  }
0x1a: {  	_ =	swait.ge @!p0 [sflag:s22], $0x3C00  }
0x1b: {  	s23 =	sshll.u32 s21, $0x9;
	[sflag:s22] =	ssyncset.done @!p0 $0x0  }
0x1c: {  	s31 =	sand.u32 $0x3FFFFE00, s23;
	[sflag:s22] =	ssyncadd.s32 @!p0 $0xFFFFC400  }
0x1d: {  	v8 =	vld [tilespmem:s31+$0x0]  }
0x1e: {  	v0 =	vld [tilespmem:s31+$0x70]  }
0x1f: {  	v1 =	vld [tilespmem:s31+$0x10]  }
0x20: {  	v2 =	vld [tilespmem:s31+$0x20]  }
0x21: {  	v6 =	vld [tilespmem:s31+$0x30]  }
0x22: {  	v3 =	vld [tilespmem:s31+$0x40];
	v7 =	vadd.s32 $0x1C0, v8  }
0x23: {  	v4 =	vld [tilespmem:s31+$0x50];
	v9 =	vadd.s32 $0x1C0, v0  }
0x24: {  	v5 =	vld [tilespmem:s31+$0x60];
	v10 =	vadd.s32 $0x1C0, v1  }
0x25: {  	v11 =	vadd.s32 $0x1C0, v2  }
0x26: {  	v12 =	vadd.s32 $0x1C0, v6  }
0x27: {  	v13 =	vadd.s32 $0x1C0, v3;
	v7 =	vld.idx.msk [tilespmem:v7+s9+$0x0], $0xffff  }
0x28: {  	v14 =	vadd.s32 $0x1C0, v4;
	v9 =	vld.idx.msk [tilespmem:v9+s9+$0x0], $0xffff  }
0x29: {  	v15 =	vadd.s32 $0x1C0, v5;
	v10 =	vld.idx.msk [tilespmem:v10+s9+$0x0], $0xffff  }
0x2a: {  	v16 =	vadd.s32 $0x40, v8;
	v11 =	vld.idx.msk [tilespmem:v11+s9+$0x0], $0xffff  }
0x2b: {  	v17 =	vadd.s32 $0x40, v1;
	v12 =	vld.idx.msk [tilespmem:v12+s9+$0x0], $0xffff  }
0x2c: {  	v18 =	vadd.s32 $0x40, v2;
	v13 =	vld.idx.msk [tilespmem:v13+s9+$0x0], $0xffff  }
0x2d: {  	v19 =	vadd.s32 $0x40, v6;
	v14 =	vld.idx.msk [tilespmem:v14+s9+$0x0], $0xffff  }
0x2e: {  	s23 =	simm.s32 $0x3000;
	v20 =	vadd.s32 $0x40, v3;
	v15 =	vld.idx.msk [tilespmem:v15+s9+$0x0], $0xffff  }
0x2f: {  	v21 =	vadd.s32 $0x40, v4;
	[tilespmem:s23+$0x1F0] =	vst v9;
	v9 =	vld.idx.msk [tilespmem:v16+s9+$0x0], $0xffff  }
0x30: {  	v62 =	vadd.s32 $0x180, v1;
	[tilespmem:s23+$0x180] =	vst v7;
	v7 =	vld.idx.msk [tilespmem:v17+s9+$0x0], $0xffff  }
0x31: {  	v16 =	vadd.s32 $0x40, v5;
	[tilespmem:s23+$0x190] =	vst v10;
	v10 =	vld.idx.msk [tilespmem:v18+s9+$0x0], $0xffff  }
0x32: {  	v17 =	vadd.s32 $0x40, v0;
	[tilespmem:s23+$0x1A0] =	vst v11;
	v11 =	vld.idx.msk [tilespmem:v19+s9+$0x0], $0xffff  }
0x33: {  	v18 =	vadd.s32 $0x80, v8;
	[tilespmem:s23+$0x1B0] =	vst v12;
	v12 =	vld.idx.msk [tilespmem:v20+s9+$0x0], $0xffff  }
0x34: {  	v19 =	vadd.s32 $0x80, v1;
	[tilespmem:s23+$0x1C0] =	vst v13;
	v13 =	vld.idx.msk [tilespmem:v21+s9+$0x0], $0xffff  }
0x35: {  	v51 =	vadd.s32 $0x80, v2;
	[tilespmem:s23+$0x1D0] =	vst v14;
	v21 =	vld.idx.msk [tilespmem:v62+s9+$0x0], $0xffff  }
0x36: {  	v52 =	vadd.s32 $0x80, v6;
	[tilespmem:s23+$0x1E0] =	vst v15;
	v14 =	vld.idx.msk [tilespmem:v16+s9+$0x0], $0xffff  }
0x37: {  	v16 =	vadd.s32 $0x80, v3;
	v15 =	vld.idx.msk [tilespmem:v17+s9+$0x0], $0xffff;
	[tilespmem:s23+$0xFFFFFE80] =	vst v9  }
0x38: {  	v17 =	vadd.s32 $0x80, v4;
	v9 =	vld.idx.msk [tilespmem:v18+s9+$0x0], $0xffff;
	[tilespmem:s23+$0xFFFFFE90] =	vst v7  }
0x39: {  	v18 =	vadd.s32 $0x80, v5;
	v7 =	vld.idx.msk [tilespmem:v19+s9+$0x0], $0xffff;
	[tilespmem:s23+$0xFFFFFEA0] =	vst v10  }
0x3a: {  	v19 =	vadd.s32 $0x80, v0;
	v10 =	vld.idx.msk [tilespmem:v51+s9+$0x0], $0xffff;
	[tilespmem:s23+$0xFFFFFEB0] =	vst v11  }
0x3b: {  	v53 =	vadd.s32 $0xC0, v8;
	v11 =	vld.idx.msk [tilespmem:v52+s9+$0x0], $0xffff;
	[tilespmem:s23+$0xFFFFFEC0] =	vst v12  }
0x3c: {  	v54 =	vadd.s32 $0xC0, v1;
	[tilespmem:s23+$0xFFFFFED0] =	vst v13;
	v12 =	vld.idx.msk [tilespmem:v16+s9+$0x0], $0xffff  }
0x3d: {  	v16 =	vadd.s32 $0xC0, v2;
	v13 =	vld.idx.msk [tilespmem:v17+s9+$0x0], $0xffff;
	[tilespmem:s23+$0xFFFFFEE0] =	vst v14  }
0x3e: {  	v17 =	vadd.s32 $0xC0, v6;
	v14 =	vld.idx.msk [tilespmem:v18+s9+$0x0], $0xffff;
	[tilespmem:s23+$0xFFFFFEF0] =	vst v15  }
0x3f: {  	v18 =	vadd.s32 $0xC0, v3;
	v15 =	vld.idx.msk [tilespmem:v19+s9+$0x0], $0xffff;
	[tilespmem:s23+$0xFFFFFF00] =	vst v9  }
0x40: {  	v19 =	vadd.s32 $0xC0, v4;
	v9 =	vld.idx.msk [tilespmem:v53+s9+$0x0], $0xffff;
	[tilespmem:s23+$0xFFFFFF10] =	vst v7  }
0x41: {  	v55 =	vadd.s32 $0xC0, v5;
	v7 =	vld.idx.msk [tilespmem:v54+s9+$0x0], $0xffff;
	[tilespmem:s23+$0xFFFFFF20] =	vst v10  }
0x42: {  	v56 =	vadd.s32 $0xC0, v0;
	[tilespmem:s23+$0xFFFFFF30] =	vst v11;
	v10 =	vld.idx.msk [tilespmem:v16+s9+$0x0], $0xffff  }
0x43: {  	v16 =	vadd.s32 $0x100, v8;
	v11 =	vld.idx.msk [tilespmem:v17+s9+$0x0], $0xffff;
	[tilespmem:s23+$0xFFFFFF40] =	vst v12  }
0x44: {  	v17 =	vadd.s32 $0x100, v1;
	v12 =	vld.idx.msk [tilespmem:v18+s9+$0x0], $0xffff;
	[tilespmem:s23+$0xFFFFFF50] =	vst v13  }
0x45: {  	v18 =	vadd.s32 $0x100, v2;
	v13 =	vld.idx.msk [tilespmem:v19+s9+$0x0], $0xffff;
	[tilespmem:s23+$0xFFFFFF60] =	vst v14  }
0x46: {  	v19 =	vadd.s32 $0x100, v6;
	v14 =	vld.idx.msk [tilespmem:v55+s9+$0x0], $0xffff;
	[tilespmem:s23+$0xFFFFFF70] =	vst v15  }
0x47: {  	v57 =	vadd.s32 $0x100, v3;
	v15 =	vld.idx.msk [tilespmem:v56+s9+$0x0], $0xffff;
	[tilespmem:s23+$0xFFFFFF80] =	vst v9  }
0x48: {  	v58 =	vadd.s32 $0x100, v4;
	[tilespmem:s23+$0xFFFFFF90] =	vst v7;
	v9 =	vld.idx.msk [tilespmem:v16+s9+$0x0], $0xffff  }
0x49: {  	v16 =	vadd.s32 $0x100, v5;
	v7 =	vld.idx.msk [tilespmem:v17+s9+$0x0], $0xffff;
	[tilespmem:s23+$0xFFFFFFA0] =	vst v10  }
0x4a: {  	v17 =	vadd.s32 $0x100, v0;
	v10 =	vld.idx.msk [tilespmem:v18+s9+$0x0], $0xffff;
	[tilespmem:s23+$0xFFFFFFB0] =	vst v11  }
0x4b: {  	v18 =	vadd.s32 $0x140, v8;
	v11 =	vld.idx.msk [tilespmem:v19+s9+$0x0], $0xffff;
	[tilespmem:s23+$0xFFFFFFC0] =	vst v12  }
0x4c: {  	v19 =	vadd.s32 $0x140, v1;
	v12 =	vld.idx.msk [tilespmem:v57+s9+$0x0], $0xffff;
	[tilespmem:s23+$0xFFFFFFD0] =	vst v13  }
0x4d: {  	v59 =	vadd.s32 $0x140, v2;
	v13 =	vld.idx.msk [tilespmem:v58+s9+$0x0], $0xffff;
	[tilespmem:s23+$0xFFFFFFE0] =	vst v14  }
0x4e: {  	v60 =	vadd.s32 $0x140, v6;
	[tilespmem:s23+$0xFFFFFFF0] =	vst v15;
	v14 =	vld.idx.msk [tilespmem:v16+s9+$0x0], $0xffff  }
0x4f: {  	v16 =	vadd.s32 $0x140, v3;
	v15 =	vld.idx.msk [tilespmem:v17+s9+$0x0], $0xffff;
	[tilespmem:s23+$0x0] =	vst v9  }
0x50: {  	v17 =	vadd.s32 $0x140, v4;
	v9 =	vld.idx.msk [tilespmem:v18+s9+$0x0], $0xffff;
	[tilespmem:s23+$0x10] =	vst v7  }
0x51: {  	v18 =	vadd.s32 $0x140, v5;
	v7 =	vld.idx.msk [tilespmem:v19+s9+$0x0], $0xffff;
	[tilespmem:s23+$0x20] =	vst v10  }
0x52: {  	v19 =	vadd.s32 $0x140, v0;
	v10 =	vld.idx.msk [tilespmem:v59+s9+$0x0], $0xffff;
	[tilespmem:s23+$0x30] =	vst v11  }
0x53: {  	v61 =	vadd.s32 $0x180, v8;
	v11 =	vld.idx.msk [tilespmem:v60+s9+$0x0], $0xffff;
	[tilespmem:s23+$0x40] =	vst v12  }
0x54: {  	[tilespmem:s23+$0x50] =	vst v13;
	v12 =	vld.idx.msk [tilespmem:v16+s9+$0x0], $0xffff  }
0x55: {  	v16 =	vadd.s32 $0x180, v2;
	v13 =	vld.idx.msk [tilespmem:v17+s9+$0x0], $0xffff;
	[tilespmem:s23+$0x60] =	vst v14  }
0x56: {  	v17 =	vadd.s32 $0x180, v6;
	v14 =	vld.idx.msk [tilespmem:v18+s9+$0x0], $0xffff;
	[tilespmem:s23+$0x70] =	vst v15  }
0x57: {  	v18 =	vadd.s32 $0x180, v3;
	v19 =	vld.idx.msk [tilespmem:v19+s9+$0x0], $0xffff;
	[tilespmem:s23+$0x80] =	vst v9  }
0x58: {  	v15 =	vadd.s32 $0x180, v4;
	v9 =	vld.idx.msk [tilespmem:v61+s9+$0x0], $0xffff;
	[tilespmem:s23+$0x90] =	vst v7  }
0x59: {  	v63 =	vadd.s32 $0x180, v5;
	[tilespmem:s23+$0xB0] =	vst v11;
	v11 =	vld.idx.msk [tilespmem:v2+s9+$0x0], $0xffff  }
0x5a: {  	v7 =	vadd.s32 $0x180, v0;
	[tilespmem:s23+$0xA0] =	vst v10;
	v10 =	vld.idx.msk [tilespmem:v16+s9+$0x0], $0xffff  }
0x5b: {  	v17 =	vld.idx.msk [tilespmem:v17+s9+$0x0], $0xffff;
	[tilespmem:s23+$0xC0] =	vst v12  }
0x5c: {  	v16 =	vld.idx.msk [tilespmem:v18+s9+$0x0], $0xffff;
	[tilespmem:s23+$0xD0] =	vst v13  }
0x5d: {  	v15 =	vld.idx.msk [tilespmem:v15+s9+$0x0], $0xffff;
	[tilespmem:s23+$0xE0] =	vst v14  }
0x5e: {  	v14 =	vld.idx.msk [tilespmem:v63+s9+$0x0], $0xffff;
	[tilespmem:s23+$0xF0] =	vst v19  }
0x5f: {  	v13 =	vld.idx.msk [tilespmem:v7+s9+$0x0], $0xffff;
	[tilespmem:s23+$0x100] =	vst v9  }
0x60: {  	v7 =	vld.idx.msk [tilespmem:v8+s9+$0x0], $0xffff;
	[tilespmem:s23+$0x110] =	vst v21  }
0x61: {  	v12 =	vld.idx.msk [tilespmem:v1+s9+$0x0], $0xffff;
	v9 =	vadd.s32 $0x200, v8;
	v8 =	vmov v0;
	[tilespmem:s23+$0x120] =	vst v10  }
0x62: {  	s24 =	simm.s32 $0x0;
	s22 =	sshll.u32 s21, $0x2;
	v10 =	vld.idx.msk [tilespmem:v6+s9+$0x0], $0xffff;
	[tilespmem:s23+$0x130] =	vst v17  }
.LBB2_3:
0x63: {  	v17 =	vadd.s32 $0x40, v9;
	v18 =	vadd.s32 $0x1C0, v9;
	v19 =	vld.idx.msk [tilespmem:v3+s9+$0x0], $0xffff;
	[tilespmem:s23+$0x140] =	vst v16;
	v0 =	vadd.s32 $0x200, v0  }
0x64: {  	s24 =	sadd.s32 $0x8, s24;
	v1 =	vadd.s32 $0x200, v1;
	v16 =	vadd.s32 $0x40, v0;
	v20 =	vadd.s32 $0x1C0, v0;
	v21 =	vld.idx.msk [tilespmem:v4+s9+$0x0], $0xffff;
	[tilespmem:s23+$0x150] =	vst v15  }
0x65: {  	v2 =	vadd.s32 $0x200, v2;
	v15 =	vadd.s32 $0x40, v1;
	v22 =	vadd.s32 $0x1C0, v1;
	p1 =	slt.u32 s24, $0x70;
	v23 =	vld.idx.msk [tilespmem:v5+s9+$0x0], $0xffff;
	[tilespmem:s23+$0x160] =	vst v14  }
0x66: {  	v6 =	vadd.s32 $0x200, v6;
	v24 =	vadd.s32 $0x1C0, v2;
	v14 =	vadd.s32 $0x40, v2;
	v25 =	vld.idx.msk [tilespmem:v8+s9+$0x0], $0xffff;
	[tilespmem:s23+$0x170] =	vst v13;
	v8 =	vmovc v0  }
0x67: {  	v3 =	vadd.s32 $0x200, v3;
	v26 =	vadd.s32 $0x1C0, v6;
	v13 =	vadd.s32 $0x40, v6;
	[tilespmem:s23+$0xFFFFFE00] =	vst v7;
	v7 =	vld.idx.msk [tilespmem:v9+s9+$0x0], $0xffff  }
0x68: {  	v27 =	vadd.s32 $0x40, v3;
	v28 =	vadd.s32 $0x1C0, v3;
	v4 =	vadd.s32 $0x200, v4;
	v18 =	vld.idx.msk [tilespmem:v18+s9+$0x0], $0xffff;
	[tilespmem:s23+$0xFFFFFE10] =	vst v12  }
0x69: {  	v29 =	vadd.s32 $0x1C0, v4;
	v5 =	vadd.s32 $0x200, v5;
	v12 =	vadd.s32 $0x40, v4;
	v20 =	vld.idx.msk [tilespmem:v20+s9+$0x0], $0xffff;
	[tilespmem:s23+$0xFFFFFE20] =	vst v11  }
0x6a: {  	v30 =	vadd.s32 $0x80, v9;
	v31 =	vadd.s32 $0x1C0, v5;
	v11 =	vadd.s32 $0x40, v5;
	v22 =	vld.idx.msk [tilespmem:v22+s9+$0x0], $0xffff;
	[tilespmem:s23+$0xFFFFFE30] =	vst v10  }
0x6b: {  	v32 =	vadd.s32 $0x80, v2;
	v33 =	vadd.s32 $0x80, v6;
	v10 =	vadd.s32 $0x80, v1;
	v24 =	vld.idx.msk [tilespmem:v24+s9+$0x0], $0xffff;
	[tilespmem:s23+$0xFFFFFE40] =	vst v19  }
0x6c: {  	v34 =	vadd.s32 $0x80, v4;
	v35 =	vadd.s32 $0x80, v5;
	v19 =	vadd.s32 $0x80, v3;
	v26 =	vld.idx.msk [tilespmem:v26+s9+$0x0], $0xffff;
	[tilespmem:s23+$0xFFFFFE50] =	vst v21  }
0x6d: {  	v36 =	vadd.s32 $0xC0, v9;
	v37 =	vadd.s32 $0xC0, v1;
	v21 =	vadd.s32 $0x80, v0;
	v28 =	vld.idx.msk [tilespmem:v28+s9+$0x0], $0xffff;
	[tilespmem:s23+$0xFFFFFE60] =	vst v23  }
0x6e: {  	v38 =	vadd.s32 $0xC0, v6;
	v39 =	vadd.s32 $0xC0, v3;
	v23 =	vadd.s32 $0xC0, v2;
	v29 =	vld.idx.msk [tilespmem:v29+s9+$0x0], $0xffff;
	[tilespmem:s23+$0xFFFFFE70] =	vst v25;
	s23 =	sadd.s32 $0x400, s23  }
0x6f: {  	v41 =	vadd.s32 $0xC0, v0;
	v40 =	vadd.s32 $0xC0, v5;
	v25 =	vadd.s32 $0xC0, v4;
	v31 =	vld.idx.msk [tilespmem:v31+s9+$0x0], $0xffff;
	[tilespmem:s23+$0x1F0] =	vst v20  }
0x70: {  	v42 =	vadd.s32 $0x100, v1;
	v43 =	vadd.s32 $0x100, v2;
	v20 =	vadd.s32 $0x100, v9;
	v17 =	vld.idx.msk [tilespmem:v17+s9+$0x0], $0xffff;
	[tilespmem:s23+$0x180] =	vst v18  }
0x71: {  	v44 =	vadd.s32 $0x100, v3;
	v45 =	vadd.s32 $0x100, v4;
	v18 =	vadd.s32 $0x100, v6;
	v15 =	vld.idx.msk [tilespmem:v15+s9+$0x0], $0xffff;
	[tilespmem:s23+$0x190] =	vst v22  }
0x72: {  	v47 =	vadd.s32 $0x140, v9;
	v46 =	vadd.s32 $0x100, v0;
	v22 =	vadd.s32 $0x100, v5;
	v14 =	vld.idx.msk [tilespmem:v14+s9+$0x0], $0xffff;
	[tilespmem:s23+$0x1A0] =	vst v24  }
0x73: {  	v48 =	vadd.s32 $0x140, v2;
	v49 =	vadd.s32 $0x140, v6;
	v24 =	vadd.s32 $0x140, v1;
	v13 =	vld.idx.msk [tilespmem:v13+s9+$0x0], $0xffff;
	[tilespmem:s23+$0x1B0] =	vst v26  }
0x74: {  	v50 =	vadd.s32 $0x140, v4;
	v51 =	vadd.s32 $0x140, v5;
	v26 =	vld.idx.msk [tilespmem:v27+s9+$0x0], $0xffff;
	v27 =	vadd.s32 $0x140, v3;
	[tilespmem:s23+$0x1C0] =	vst v28  }
0x75: {  	v52 =	vadd.s32 $0x180, v9;
	v53 =	vadd.s32 $0x180, v1;
	v28 =	vadd.s32 $0x140, v0;
	v12 =	vld.idx.msk [tilespmem:v12+s9+$0x0], $0xffff;
	[tilespmem:s23+$0x1D0] =	vst v29  }
0x76: {  	v54 =	vadd.s32 $0x180, v6;
	v55 =	vadd.s32 $0x180, v3;
	v29 =	vadd.s32 $0x180, v2;
	v11 =	vld.idx.msk [tilespmem:v11+s9+$0x0], $0xffff;
	[tilespmem:s23+$0x1E0] =	vst v31  }
0x77: {  	v56 =	vadd.s32 $0x180, v0;
	v31 =	vadd.s32 $0x180, v5;
	v16 =	vld.idx.msk [tilespmem:v16+s9+$0x0], $0xffff;
	[tilespmem:s23+$0xFFFFFE80] =	vst v17;
	v17 =	vadd.s32 $0x180, v4  }
0x78: {  	[tilespmem:s23+$0xFFFFFE90] =	vst v15;
	v15 =	vld.idx.msk [tilespmem:v30+s9+$0x0], $0xffff  }
0x79: {  	[tilespmem:s23+$0xFFFFFEA0] =	vst v14;
	v10 =	vld.idx.msk [tilespmem:v10+s9+$0x0], $0xffff  }
0x7a: {  	[tilespmem:s23+$0xFFFFFEB0] =	vst v13;
	v13 =	vld.idx.msk [tilespmem:v32+s9+$0x0], $0xffff  }
0x7b: {  	[tilespmem:s23+$0xFFFFFEC0] =	vst v26;
	v14 =	vld.idx.msk [tilespmem:v33+s9+$0x0], $0xffff  }
0x7c: {  	[tilespmem:s23+$0xFFFFFED0] =	vst v12;
	v12 =	vld.idx.msk [tilespmem:v19+s9+$0x0], $0xffff  }
0x7d: {  	[tilespmem:s23+$0xFFFFFEE0] =	vst v11;
	v11 =	vld.idx.msk [tilespmem:v34+s9+$0x0], $0xffff  }
0x7e: {  	[tilespmem:s23+$0xFFFFFEF0] =	vst v16;
	v16 =	vld.idx.msk [tilespmem:v35+s9+$0x0], $0xffff  }
0x7f: {  	v19 =	vld.idx.msk [tilespmem:v21+s9+$0x0], $0xffff;
	[tilespmem:s23+$0xFFFFFF00] =	vst v15  }
0x80: {  	[tilespmem:s23+$0xFFFFFF10] =	vst v10;
	v10 =	vld.idx.msk [tilespmem:v36+s9+$0x0], $0xffff  }
0x81: {  	[tilespmem:s23+$0xFFFFFF20] =	vst v13;
	v13 =	vld.idx.msk [tilespmem:v37+s9+$0x0], $0xffff  }
0x82: {  	[tilespmem:s23+$0xFFFFFF30] =	vst v14;
	v14 =	vld.idx.msk [tilespmem:v23+s9+$0x0], $0xffff  }
0x83: {  	[tilespmem:s23+$0xFFFFFF40] =	vst v12;
	v12 =	vld.idx.msk [tilespmem:v38+s9+$0x0], $0xffff  }
0x84: {  	[tilespmem:s23+$0xFFFFFF50] =	vst v11;
	v11 =	vld.idx.msk [tilespmem:v39+s9+$0x0], $0xffff  }
0x85: {  	[tilespmem:s23+$0xFFFFFF60] =	vst v16;
	v15 =	vld.idx.msk [tilespmem:v25+s9+$0x0], $0xffff  }
0x86: {  	[tilespmem:s23+$0xFFFFFF70] =	vst v19;
	v16 =	vld.idx.msk [tilespmem:v40+s9+$0x0], $0xffff  }
0x87: {  	v19 =	vld.idx.msk [tilespmem:v41+s9+$0x0], $0xffff;
	[tilespmem:s23+$0xFFFFFF80] =	vst v10  }
0x88: {  	[tilespmem:s23+$0xFFFFFF90] =	vst v13;
	v10 =	vld.idx.msk [tilespmem:v20+s9+$0x0], $0xffff  }
0x89: {  	[tilespmem:s23+$0xFFFFFFA0] =	vst v14;
	v13 =	vld.idx.msk [tilespmem:v42+s9+$0x0], $0xffff  }
0x8a: {  	[tilespmem:s23+$0xFFFFFFB0] =	vst v12;
	v12 =	vld.idx.msk [tilespmem:v43+s9+$0x0], $0xffff  }
0x8b: {  	[tilespmem:s23+$0xFFFFFFC0] =	vst v11;
	v11 =	vld.idx.msk [tilespmem:v18+s9+$0x0], $0xffff  }
0x8c: {  	[tilespmem:s23+$0xFFFFFFD0] =	vst v15;
	v14 =	vld.idx.msk [tilespmem:v44+s9+$0x0], $0xffff  }
0x8d: {  	[tilespmem:s23+$0xFFFFFFE0] =	vst v16;
	v15 =	vld.idx.msk [tilespmem:v45+s9+$0x0], $0xffff  }
0x8e: {  	[tilespmem:s23+$0xFFFFFFF0] =	vst v19;
	v16 =	vld.idx.msk [tilespmem:v22+s9+$0x0], $0xffff  }
0x8f: {  	v18 =	vld.idx.msk [tilespmem:v46+s9+$0x0], $0xffff;
	[tilespmem:s23+$0x0] =	vst v10  }
0x90: {  	[tilespmem:s23+$0x10] =	vst v13;
	v10 =	vld.idx.msk [tilespmem:v47+s9+$0x0], $0xffff  }
0x91: {  	[tilespmem:s23+$0x20] =	vst v12;
	v12 =	vld.idx.msk [tilespmem:v24+s9+$0x0], $0xffff  }
0x92: {  	[tilespmem:s23+$0x30] =	vst v11;
	v11 =	vld.idx.msk [tilespmem:v48+s9+$0x0], $0xffff  }
0x93: {  	[tilespmem:s23+$0x40] =	vst v14;
	v13 =	vld.idx.msk [tilespmem:v49+s9+$0x0], $0xffff  }
0x94: {  	[tilespmem:s23+$0x50] =	vst v15;
	v14 =	vld.idx.msk [tilespmem:v27+s9+$0x0], $0xffff  }
0x95: {  	[tilespmem:s23+$0x60] =	vst v16;
	v15 =	vld.idx.msk [tilespmem:v50+s9+$0x0], $0xffff  }
0x96: {  	[tilespmem:s23+$0x70] =	vst v18;
	v18 =	vld.idx.msk [tilespmem:v51+s9+$0x0], $0xffff  }
0x97: {  	v19 =	vld.idx.msk [tilespmem:v28+s9+$0x0], $0xffff;
	[tilespmem:s23+$0x80] =	vst v10  }
0x98: {  	[tilespmem:s23+$0x90] =	vst v12;
	v10 =	vld.idx.msk [tilespmem:v52+s9+$0x0], $0xffff  }
0x99: {  	[tilespmem:s23+$0xA0] =	vst v11;
	v11 =	vld.idx.msk [tilespmem:v53+s9+$0x0], $0xffff  }
0x9a: {  	[tilespmem:s23+$0xB0] =	vst v13;
	v20 =	vld.idx.msk [tilespmem:v29+s9+$0x0], $0xffff  }
0x9b: {  	[tilespmem:s23+$0xC0] =	vst v14;
	v21 =	vld.idx.msk [tilespmem:v54+s9+$0x0], $0xffff  }
0x9c: {  	[tilespmem:s23+$0xD0] =	vst v15;
	v16 =	vld.idx.msk [tilespmem:v55+s9+$0x0], $0xffff  }
0x9d: {  	[tilespmem:s23+$0xE0] =	vst v18;
	v15 =	vld.idx.msk [tilespmem:v17+s9+$0x0], $0xffff  }
.Ltmp0:
0x9e: {  	[tilespmem:s23+$0xF0] =	vst v19;
	v14 =	vld.idx.msk [tilespmem:v31+s9+$0x0], $0xffff;
	(pc) =	sbr.rel @p1 .LBB2_3-.Ltmp0, $4  }
0x9f: {  	v13 =	vld.idx.msk [tilespmem:v56+s9+$0x0], $0xffff;
	[tilespmem:s23+$0x100] =	vst v10  }
0xa0: {  	v12 =	vld.idx.msk [tilespmem:v1+s9+$0x0], $0xffff;
	[tilespmem:s23+$0x110] =	vst v11  }
0xa1: {  	v11 =	vld.idx.msk [tilespmem:v2+s9+$0x0], $0xffff;
	[tilespmem:s23+$0x120] =	vst v20  }
0xa2: {  	v9 =	vadd.s32 $0x200, v9;
	v10 =	vld.idx.msk [tilespmem:v6+s9+$0x0], $0xffff;
	[tilespmem:s23+$0x130] =	vst v21  }
0xa3: {  	_ =	sdelay $0x3  }
0xa4: {  	v0 =	vld.idx.msk [tilespmem:v3+s9+$0x0], $0xffff;
	[tilespmem:s23+$0x140] =	vst v16  }
0xa5: {  	v1 =	vld.idx.msk [tilespmem:v4+s9+$0x0], $0xffff;
	[tilespmem:s23+$0x150] =	vst v15  }
0xa6: {  	v2 =	vld.idx.msk [tilespmem:v5+s9+$0x0], $0xffff;
	[tilespmem:s23+$0x160] =	vst v14  }
0xa7: {  	v3 =	vld.idx.msk [tilespmem:v8+s9+$0x0], $0xffff;
	[tilespmem:s23+$0xFFFFFE00] =	vst v7  }
0xa8: {  	[tilespmem:s23+$0x170] =	vst v13  }
0xa9: {  	[tilespmem:s23+$0xFFFFFE10] =	vst v12  }
0xaa: {  	[tilespmem:s23+$0xFFFFFE20] =	vst v11  }
0xab: {  	[tilespmem:s23+$0xFFFFFE30] =	vst v10  }
0xac: {  	s24 =	sshll.u32 s21, $0xC;
	[tilespmem:s23+$0xFFFFFE40] =	vst v0  }
0xad: {  	s24 =	sadd.s32 s6, s24;
	[tilespmem:s23+$0xFFFFFE50] =	vst v1  }
0xae: {  	s24 =	sshrl.u32 s24, $0x3;
	[tilespmem:s23+$0xFFFFFE60] =	vst v2  }
0xaf: {  	s30 =	sadd.s32 s2, s24;
	s24 =	simm.s32 @!p0 $0x2;
	[tilespmem:s23+$0xFFFFFE70] =	vst v3  }
0xb0: {  	[hbm4b:s30+s10] =	stream.strided.scatter [tilespmem:s12], [sflag:$0x1], $0x3C00, s11, s10, $0x38;
	[tilespmem:$0x11E00] =	vst v63  }
0xb1: {  	s23 =	sor.u32 $0x1, s22;
	_ =	swait.ge @!p0 [sflag:s24], $0x3C00  }
0xb2: {  	s25 =	sshll.u32 s23, $0x7;
	[sflag:s24] =	ssyncset.done @!p0 $0x0  }
0xb3: {  	s31 =	sand.u32 $0x3FFFFF80, s25;
	[sflag:s24] =	ssyncadd.s32 @!p0 $0xFFFFC400  }
0xb4: {  	v8 =	vld [tilespmem:s31+$0x0]  }
0xb5: {  	v0 =	vld [tilespmem:s31+$0x70]  }
0xb6: {  	v1 =	vld [tilespmem:s31+$0x10]  }
0xb7: {  	v2 =	vld [tilespmem:s31+$0x20]  }
0xb8: {  	v6 =	vld [tilespmem:s31+$0x30]  }
0xb9: {  	v3 =	vld [tilespmem:s31+$0x40];
	v7 =	vadd.s32 $0x1C0, v8  }
0xba: {  	v4 =	vld [tilespmem:s31+$0x50];
	v9 =	vadd.s32 $0x1C0, v0  }
0xbb: {  	v5 =	vld [tilespmem:s31+$0x60];
	v10 =	vadd.s32 $0x1C0, v1  }
0xbc: {  	v11 =	vadd.s32 $0x1C0, v2  }
0xbd: {  	v12 =	vadd.s32 $0x1C0, v6  }
0xbe: {  	v13 =	vadd.s32 $0x1C0, v3;
	v7 =	vld.idx.msk [tilespmem:v7+s9+$0x0], $0xffff  }
0xbf: {  	v14 =	vadd.s32 $0x1C0, v4;
	v9 =	vld.idx.msk [tilespmem:v9+s9+$0x0], $0xffff  }
0xc0: {  	v15 =	vadd.s32 $0x1C0, v5;
	v10 =	vld.idx.msk [tilespmem:v10+s9+$0x0], $0xffff  }
0xc1: {  	v16 =	vadd.s32 $0x40, v8;
	v11 =	vld.idx.msk [tilespmem:v11+s9+$0x0], $0xffff  }
0xc2: {  	v17 =	vadd.s32 $0x40, v1;
	v12 =	vld.idx.msk [tilespmem:v12+s9+$0x0], $0xffff  }
0xc3: {  	v18 =	vadd.s32 $0x40, v2;
	v13 =	vld.idx.msk [tilespmem:v13+s9+$0x0], $0xffff  }
0xc4: {  	v19 =	vadd.s32 $0x40, v6;
	v14 =	vld.idx.msk [tilespmem:v14+s9+$0x0], $0xffff  }
0xc5: {  	s24 =	simm.s32 $0x6DF0;
	v20 =	vadd.s32 $0x40, v3;
	v15 =	vld.idx.msk [tilespmem:v15+s9+$0x0], $0xffff  }
0xc6: {  	v21 =	vadd.s32 $0x40, v4;
	[tilespmem:s24+$0x0] =	vst v9;
	v9 =	vld.idx.msk [tilespmem:v16+s9+$0x0], $0xffff  }
0xc7: {  	v62 =	vadd.s32 $0x180, v1;
	[tilespmem:s24+$0xFFFFFF90] =	vst v7;
	v7 =	vld.idx.msk [tilespmem:v17+s9+$0x0], $0xffff  }
0xc8: {  	v16 =	vadd.s32 $0x40, v5;
	[tilespmem:s24+$0xFFFFFFA0] =	vst v10;
	v10 =	vld.idx.msk [tilespmem:v18+s9+$0x0], $0xffff  }
0xc9: {  	v17 =	vadd.s32 $0x40, v0;
	[tilespmem:s24+$0xFFFFFFB0] =	vst v11;
	v11 =	vld.idx.msk [tilespmem:v19+s9+$0x0], $0xffff  }
0xca: {  	v18 =	vadd.s32 $0x80, v8;
	[tilespmem:s24+$0xFFFFFFC0] =	vst v12;
	v12 =	vld.idx.msk [tilespmem:v20+s9+$0x0], $0xffff  }
0xcb: {  	v19 =	vadd.s32 $0x80, v1;
	[tilespmem:s24+$0xFFFFFFD0] =	vst v13;
	v13 =	vld.idx.msk [tilespmem:v21+s9+$0x0], $0xffff  }
0xcc: {  	v51 =	vadd.s32 $0x80, v2;
	[tilespmem:s24+$0xFFFFFFE0] =	vst v14;
	v21 =	vld.idx.msk [tilespmem:v62+s9+$0x0], $0xffff  }
0xcd: {  	v52 =	vadd.s32 $0x80, v6;
	[tilespmem:s24+$0xFFFFFFF0] =	vst v15;
	v14 =	vld.idx.msk [tilespmem:v16+s9+$0x0], $0xffff  }
0xce: {  	v16 =	vadd.s32 $0x80, v3;
	v15 =	vld.idx.msk [tilespmem:v17+s9+$0x0], $0xffff;
	[tilespmem:s24+$0xFFFFFC90] =	vst v9  }
0xcf: {  	v17 =	vadd.s32 $0x80, v4;
	v9 =	vld.idx.msk [tilespmem:v18+s9+$0x0], $0xffff;
	[tilespmem:s24+$0xFFFFFCA0] =	vst v7  }
0xd0: {  	v18 =	vadd.s32 $0x80, v5;
	v7 =	vld.idx.msk [tilespmem:v19+s9+$0x0], $0xffff;
	[tilespmem:s24+$0xFFFFFCB0] =	vst v10  }
0xd1: {  	v19 =	vadd.s32 $0x80, v0;
	v10 =	vld.idx.msk [tilespmem:v51+s9+$0x0], $0xffff;
	[tilespmem:s24+$0xFFFFFCC0] =	vst v11  }
0xd2: {  	v53 =	vadd.s32 $0xC0, v8;
	v11 =	vld.idx.msk [tilespmem:v52+s9+$0x0], $0xffff;
	[tilespmem:s24+$0xFFFFFCD0] =	vst v12  }
0xd3: {  	v54 =	vadd.s32 $0xC0, v1;
	[tilespmem:s24+$0xFFFFFCE0] =	vst v13;
	v12 =	vld.idx.msk [tilespmem:v16+s9+$0x0], $0xffff  }
0xd4: {  	v16 =	vadd.s32 $0xC0, v2;
	v13 =	vld.idx.msk [tilespmem:v17+s9+$0x0], $0xffff;
	[tilespmem:s24+$0xFFFFFCF0] =	vst v14  }
0xd5: {  	v17 =	vadd.s32 $0xC0, v6;
	v14 =	vld.idx.msk [tilespmem:v18+s9+$0x0], $0xffff;
	[tilespmem:s24+$0xFFFFFD00] =	vst v15  }
0xd6: {  	v18 =	vadd.s32 $0xC0, v3;
	v15 =	vld.idx.msk [tilespmem:v19+s9+$0x0], $0xffff;
	[tilespmem:s24+$0xFFFFFD10] =	vst v9  }
0xd7: {  	v19 =	vadd.s32 $0xC0, v4;
	v9 =	vld.idx.msk [tilespmem:v53+s9+$0x0], $0xffff;
	[tilespmem:s24+$0xFFFFFD20] =	vst v7  }
0xd8: {  	v55 =	vadd.s32 $0xC0, v5;
	v7 =	vld.idx.msk [tilespmem:v54+s9+$0x0], $0xffff;
	[tilespmem:s24+$0xFFFFFD30] =	vst v10  }
0xd9: {  	v56 =	vadd.s32 $0xC0, v0;
	[tilespmem:s24+$0xFFFFFD40] =	vst v11;
	v10 =	vld.idx.msk [tilespmem:v16+s9+$0x0], $0xffff  }
0xda: {  	v16 =	vadd.s32 $0x100, v8;
	v11 =	vld.idx.msk [tilespmem:v17+s9+$0x0], $0xffff;
	[tilespmem:s24+$0xFFFFFD50] =	vst v12  }
0xdb: {  	v17 =	vadd.s32 $0x100, v1;
	v12 =	vld.idx.msk [tilespmem:v18+s9+$0x0], $0xffff;
	[tilespmem:s24+$0xFFFFFD60] =	vst v13  }
0xdc: {  	v18 =	vadd.s32 $0x100, v2;
	v13 =	vld.idx.msk [tilespmem:v19+s9+$0x0], $0xffff;
	[tilespmem:s24+$0xFFFFFD70] =	vst v14  }
0xdd: {  	v19 =	vadd.s32 $0x100, v6;
	v14 =	vld.idx.msk [tilespmem:v55+s9+$0x0], $0xffff;
	[tilespmem:s24+$0xFFFFFD80] =	vst v15  }
0xde: {  	v57 =	vadd.s32 $0x100, v3;
	v15 =	vld.idx.msk [tilespmem:v56+s9+$0x0], $0xffff;
	[tilespmem:s24+$0xFFFFFD90] =	vst v9  }
0xdf: {  	v58 =	vadd.s32 $0x100, v4;
	[tilespmem:s24+$0xFFFFFDA0] =	vst v7;
	v9 =	vld.idx.msk [tilespmem:v16+s9+$0x0], $0xffff  }
0xe0: {  	v16 =	vadd.s32 $0x100, v5;
	v7 =	vld.idx.msk [tilespmem:v17+s9+$0x0], $0xffff;
	[tilespmem:s24+$0xFFFFFDB0] =	vst v10  }
0xe1: {  	v17 =	vadd.s32 $0x100, v0;
	v10 =	vld.idx.msk [tilespmem:v18+s9+$0x0], $0xffff;
	[tilespmem:s24+$0xFFFFFDC0] =	vst v11  }
0xe2: {  	v18 =	vadd.s32 $0x140, v8;
	v11 =	vld.idx.msk [tilespmem:v19+s9+$0x0], $0xffff;
	[tilespmem:s24+$0xFFFFFDD0] =	vst v12  }
0xe3: {  	v19 =	vadd.s32 $0x140, v1;
	v12 =	vld.idx.msk [tilespmem:v57+s9+$0x0], $0xffff;
	[tilespmem:s24+$0xFFFFFDE0] =	vst v13  }
0xe4: {  	v59 =	vadd.s32 $0x140, v2;
	v13 =	vld.idx.msk [tilespmem:v58+s9+$0x0], $0xffff;
	[tilespmem:s24+$0xFFFFFDF0] =	vst v14  }
0xe5: {  	v60 =	vadd.s32 $0x140, v6;
	[tilespmem:s24+$0xFFFFFE00] =	vst v15;
	v14 =	vld.idx.msk [tilespmem:v16+s9+$0x0], $0xffff  }
0xe6: {  	v16 =	vadd.s32 $0x140, v3;
	v15 =	vld.idx.msk [tilespmem:v17+s9+$0x0], $0xffff;
	[tilespmem:s24+$0xFFFFFE10] =	vst v9  }
0xe7: {  	v17 =	vadd.s32 $0x140, v4;
	v9 =	vld.idx.msk [tilespmem:v18+s9+$0x0], $0xffff;
	[tilespmem:s24+$0xFFFFFE20] =	vst v7  }
0xe8: {  	v18 =	vadd.s32 $0x140, v5;
	v7 =	vld.idx.msk [tilespmem:v19+s9+$0x0], $0xffff;
	[tilespmem:s24+$0xFFFFFE30] =	vst v10  }
0xe9: {  	v19 =	vadd.s32 $0x140, v0;
	v10 =	vld.idx.msk [tilespmem:v59+s9+$0x0], $0xffff;
	[tilespmem:s24+$0xFFFFFE40] =	vst v11  }
0xea: {  	v61 =	vadd.s32 $0x180, v8;
	v11 =	vld.idx.msk [tilespmem:v60+s9+$0x0], $0xffff;
	[tilespmem:s24+$0xFFFFFE50] =	vst v12  }
0xeb: {  	[tilespmem:s24+$0xFFFFFE60] =	vst v13;
	v12 =	vld.idx.msk [tilespmem:v16+s9+$0x0], $0xffff  }
0xec: {  	v16 =	vadd.s32 $0x180, v2;
	v13 =	vld.idx.msk [tilespmem:v17+s9+$0x0], $0xffff;
	[tilespmem:s24+$0xFFFFFE70] =	vst v14  }
0xed: {  	v17 =	vadd.s32 $0x180, v6;
	v14 =	vld.idx.msk [tilespmem:v18+s9+$0x0], $0xffff;
	[tilespmem:s24+$0xFFFFFE80] =	vst v15  }
0xee: {  	v18 =	vadd.s32 $0x180, v3;
	v19 =	vld.idx.msk [tilespmem:v19+s9+$0x0], $0xffff;
	[tilespmem:s24+$0xFFFFFE90] =	vst v9  }
0xef: {  	v15 =	vadd.s32 $0x180, v4;
	v9 =	vld.idx.msk [tilespmem:v61+s9+$0x0], $0xffff;
	[tilespmem:s24+$0xFFFFFEA0] =	vst v7  }
0xf0: {  	v63 =	vadd.s32 $0x180, v5;
	[tilespmem:s24+$0xFFFFFEC0] =	vst v11;
	v11 =	vld.idx.msk [tilespmem:v2+s9+$0x0], $0xffff  }
0xf1: {  	v7 =	vadd.s32 $0x180, v0;
	[tilespmem:s24+$0xFFFFFEB0] =	vst v10;
	v10 =	vld.idx.msk [tilespmem:v16+s9+$0x0], $0xffff  }
0xf2: {  	v17 =	vld.idx.msk [tilespmem:v17+s9+$0x0], $0xffff;
	[tilespmem:s24+$0xFFFFFED0] =	vst v12  }
0xf3: {  	v16 =	vld.idx.msk [tilespmem:v18+s9+$0x0], $0xffff;
	[tilespmem:s24+$0xFFFFFEE0] =	vst v13  }
0xf4: {  	v15 =	vld.idx.msk [tilespmem:v15+s9+$0x0], $0xffff;
	[tilespmem:s24+$0xFFFFFEF0] =	vst v14  }
0xf5: {  	v14 =	vld.idx.msk [tilespmem:v63+s9+$0x0], $0xffff;
	[tilespmem:s24+$0xFFFFFF00] =	vst v19  }
0xf6: {  	v13 =	vld.idx.msk [tilespmem:v7+s9+$0x0], $0xffff;
	[tilespmem:s24+$0xFFFFFF10] =	vst v9  }
0xf7: {  	v7 =	vld.idx.msk [tilespmem:v8+s9+$0x0], $0xffff;
	[tilespmem:s24+$0xFFFFFF20] =	vst v21  }
0xf8: {  	v12 =	vld.idx.msk [tilespmem:v1+s9+$0x0], $0xffff;
	v9 =	vadd.s32 $0x200, v8;
	v8 =	vmov v0;
	[tilespmem:s24+$0xFFFFFF30] =	vst v10  }
0xf9: {  	s25 =	simm.s32 $0x0;
	v10 =	vld.idx.msk [tilespmem:v6+s9+$0x0], $0xffff;
	[tilespmem:s24+$0xFFFFFF40] =	vst v17  }
.LBB2_5:
0xfa: {  	v17 =	vadd.s32 $0x40, v9;
	v18 =	vadd.s32 $0x1C0, v9;
	v19 =	vld.idx.msk [tilespmem:v3+s9+$0x0], $0xffff;
	[tilespmem:s24+$0xFFFFFF50] =	vst v16;
	v0 =	vadd.s32 $0x200, v0  }
0xfb: {  	s25 =	sadd.s32 $0x8, s25;
	v1 =	vadd.s32 $0x200, v1;
	v16 =	vadd.s32 $0x40, v0;
	v20 =	vadd.s32 $0x1C0, v0;
	v21 =	vld.idx.msk [tilespmem:v4+s9+$0x0], $0xffff;
	[tilespmem:s24+$0xFFFFFF60] =	vst v15  }
0xfc: {  	v2 =	vadd.s32 $0x200, v2;
	v15 =	vadd.s32 $0x40, v1;
	v22 =	vadd.s32 $0x1C0, v1;
	p1 =	slt.u32 s25, $0x70;
	v23 =	vld.idx.msk [tilespmem:v5+s9+$0x0], $0xffff;
	[tilespmem:s24+$0xFFFFFF70] =	vst v14  }
0xfd: {  	v6 =	vadd.s32 $0x200, v6;
	v24 =	vadd.s32 $0x1C0, v2;
	v14 =	vadd.s32 $0x40, v2;
	v25 =	vld.idx.msk [tilespmem:v8+s9+$0x0], $0xffff;
	[tilespmem:s24+$0xFFFFFF80] =	vst v13;
	v8 =	vmovc v0  }
0xfe: {  	v3 =	vadd.s32 $0x200, v3;
	v26 =	vadd.s32 $0x1C0, v6;
	v13 =	vadd.s32 $0x40, v6;
	[tilespmem:s24+$0xFFFFFC10] =	vst v7;
	v7 =	vld.idx.msk [tilespmem:v9+s9+$0x0], $0xffff  }
0xff: {  	v27 =	vadd.s32 $0x40, v3;
	v28 =	vadd.s32 $0x1C0, v3;
	v4 =	vadd.s32 $0x200, v4;
	v18 =	vld.idx.msk [tilespmem:v18+s9+$0x0], $0xffff;
	[tilespmem:s24+$0xFFFFFC20] =	vst v12  }
0x100: {  	v29 =	vadd.s32 $0x1C0, v4;
	v5 =	vadd.s32 $0x200, v5;
	v12 =	vadd.s32 $0x40, v4;
	v20 =	vld.idx.msk [tilespmem:v20+s9+$0x0], $0xffff;
	[tilespmem:s24+$0xFFFFFC30] =	vst v11  }
0x101: {  	v30 =	vadd.s32 $0x80, v9;
	v31 =	vadd.s32 $0x1C0, v5;
	v11 =	vadd.s32 $0x40, v5;
	v22 =	vld.idx.msk [tilespmem:v22+s9+$0x0], $0xffff;
	[tilespmem:s24+$0xFFFFFC40] =	vst v10  }
0x102: {  	v32 =	vadd.s32 $0x80, v2;
	v33 =	vadd.s32 $0x80, v6;
	v10 =	vadd.s32 $0x80, v1;
	v24 =	vld.idx.msk [tilespmem:v24+s9+$0x0], $0xffff;
	[tilespmem:s24+$0xFFFFFC50] =	vst v19  }
0x103: {  	v34 =	vadd.s32 $0x80, v4;
	v35 =	vadd.s32 $0x80, v5;
	v19 =	vadd.s32 $0x80, v3;
	v26 =	vld.idx.msk [tilespmem:v26+s9+$0x0], $0xffff;
	[tilespmem:s24+$0xFFFFFC60] =	vst v21  }
0x104: {  	v36 =	vadd.s32 $0xC0, v9;
	v37 =	vadd.s32 $0xC0, v1;
	v21 =	vadd.s32 $0x80, v0;
	v28 =	vld.idx.msk [tilespmem:v28+s9+$0x0], $0xffff;
	[tilespmem:s24+$0xFFFFFC70] =	vst v23  }
0x105: {  	v38 =	vadd.s32 $0xC0, v6;
	v39 =	vadd.s32 $0xC0, v3;
	v23 =	vadd.s32 $0xC0, v2;
	v29 =	vld.idx.msk [tilespmem:v29+s9+$0x0], $0xffff;
	[tilespmem:s24+$0xFFFFFC80] =	vst v25;
	s24 =	sadd.s32 $0x400, s24  }
0x106: {  	v41 =	vadd.s32 $0xC0, v0;
	v40 =	vadd.s32 $0xC0, v5;
	v25 =	vadd.s32 $0xC0, v4;
	v31 =	vld.idx.msk [tilespmem:v31+s9+$0x0], $0xffff;
	[tilespmem:s24+$0x0] =	vst v20  }
0x107: {  	v42 =	vadd.s32 $0x100, v1;
	v43 =	vadd.s32 $0x100, v2;
	v20 =	vadd.s32 $0x100, v9;
	v17 =	vld.idx.msk [tilespmem:v17+s9+$0x0], $0xffff;
	[tilespmem:s24+$0xFFFFFF90] =	vst v18  }
0x108: {  	v44 =	vadd.s32 $0x100, v3;
	v45 =	vadd.s32 $0x100, v4;
	v18 =	vadd.s32 $0x100, v6;
	v15 =	vld.idx.msk [tilespmem:v15+s9+$0x0], $0xffff;
	[tilespmem:s24+$0xFFFFFFA0] =	vst v22  }
0x109: {  	v47 =	vadd.s32 $0x140, v9;
	v46 =	vadd.s32 $0x100, v0;
	v22 =	vadd.s32 $0x100, v5;
	v14 =	vld.idx.msk [tilespmem:v14+s9+$0x0], $0xffff;
	[tilespmem:s24+$0xFFFFFFB0] =	vst v24  }
0x10a: {  	v48 =	vadd.s32 $0x140, v2;
	v49 =	vadd.s32 $0x140, v6;
	v24 =	vadd.s32 $0x140, v1;
	v13 =	vld.idx.msk [tilespmem:v13+s9+$0x0], $0xffff;
	[tilespmem:s24+$0xFFFFFFC0] =	vst v26  }
0x10b: {  	v50 =	vadd.s32 $0x140, v4;
	v51 =	vadd.s32 $0x140, v5;
	v26 =	vld.idx.msk [tilespmem:v27+s9+$0x0], $0xffff;
	v27 =	vadd.s32 $0x140, v3;
	[tilespmem:s24+$0xFFFFFFD0] =	vst v28  }
0x10c: {  	v52 =	vadd.s32 $0x180, v9;
	v53 =	vadd.s32 $0x180, v1;
	v28 =	vadd.s32 $0x140, v0;
	v12 =	vld.idx.msk [tilespmem:v12+s9+$0x0], $0xffff;
	[tilespmem:s24+$0xFFFFFFE0] =	vst v29  }
0x10d: {  	v54 =	vadd.s32 $0x180, v6;
	v55 =	vadd.s32 $0x180, v3;
	v29 =	vadd.s32 $0x180, v2;
	v11 =	vld.idx.msk [tilespmem:v11+s9+$0x0], $0xffff;
	[tilespmem:s24+$0xFFFFFFF0] =	vst v31  }
0x10e: {  	v56 =	vadd.s32 $0x180, v0;
	v31 =	vadd.s32 $0x180, v5;
	v16 =	vld.idx.msk [tilespmem:v16+s9+$0x0], $0xffff;
	[tilespmem:s24+$0xFFFFFC90] =	vst v17;
	v17 =	vadd.s32 $0x180, v4  }
0x10f: {  	[tilespmem:s24+$0xFFFFFCA0] =	vst v15;
	v15 =	vld.idx.msk [tilespmem:v30+s9+$0x0], $0xffff  }
0x110: {  	[tilespmem:s24+$0xFFFFFCB0] =	vst v14;
	v10 =	vld.idx.msk [tilespmem:v10+s9+$0x0], $0xffff  }
0x111: {  	[tilespmem:s24+$0xFFFFFCC0] =	vst v13;
	v13 =	vld.idx.msk [tilespmem:v32+s9+$0x0], $0xffff  }
0x112: {  	[tilespmem:s24+$0xFFFFFCD0] =	vst v26;
	v14 =	vld.idx.msk [tilespmem:v33+s9+$0x0], $0xffff  }
0x113: {  	[tilespmem:s24+$0xFFFFFCE0] =	vst v12;
	v12 =	vld.idx.msk [tilespmem:v19+s9+$0x0], $0xffff  }
0x114: {  	[tilespmem:s24+$0xFFFFFCF0] =	vst v11;
	v11 =	vld.idx.msk [tilespmem:v34+s9+$0x0], $0xffff  }
0x115: {  	[tilespmem:s24+$0xFFFFFD00] =	vst v16;
	v16 =	vld.idx.msk [tilespmem:v35+s9+$0x0], $0xffff  }
0x116: {  	v19 =	vld.idx.msk [tilespmem:v21+s9+$0x0], $0xffff;
	[tilespmem:s24+$0xFFFFFD10] =	vst v15  }
0x117: {  	[tilespmem:s24+$0xFFFFFD20] =	vst v10;
	v10 =	vld.idx.msk [tilespmem:v36+s9+$0x0], $0xffff  }
0x118: {  	[tilespmem:s24+$0xFFFFFD30] =	vst v13;
	v13 =	vld.idx.msk [tilespmem:v37+s9+$0x0], $0xffff  }
0x119: {  	[tilespmem:s24+$0xFFFFFD40] =	vst v14;
	v14 =	vld.idx.msk [tilespmem:v23+s9+$0x0], $0xffff  }
0x11a: {  	[tilespmem:s24+$0xFFFFFD50] =	vst v12;
	v12 =	vld.idx.msk [tilespmem:v38+s9+$0x0], $0xffff  }
0x11b: {  	[tilespmem:s24+$0xFFFFFD60] =	vst v11;
	v11 =	vld.idx.msk [tilespmem:v39+s9+$0x0], $0xffff  }
0x11c: {  	[tilespmem:s24+$0xFFFFFD70] =	vst v16;
	v15 =	vld.idx.msk [tilespmem:v25+s9+$0x0], $0xffff  }
0x11d: {  	[tilespmem:s24+$0xFFFFFD80] =	vst v19;
	v16 =	vld.idx.msk [tilespmem:v40+s9+$0x0], $0xffff  }
0x11e: {  	v19 =	vld.idx.msk [tilespmem:v41+s9+$0x0], $0xffff;
	[tilespmem:s24+$0xFFFFFD90] =	vst v10  }
0x11f: {  	[tilespmem:s24+$0xFFFFFDA0] =	vst v13;
	v10 =	vld.idx.msk [tilespmem:v20+s9+$0x0], $0xffff  }
0x120: {  	[tilespmem:s24+$0xFFFFFDB0] =	vst v14;
	v13 =	vld.idx.msk [tilespmem:v42+s9+$0x0], $0xffff  }
0x121: {  	[tilespmem:s24+$0xFFFFFDC0] =	vst v12;
	v12 =	vld.idx.msk [tilespmem:v43+s9+$0x0], $0xffff  }
0x122: {  	[tilespmem:s24+$0xFFFFFDD0] =	vst v11;
	v11 =	vld.idx.msk [tilespmem:v18+s9+$0x0], $0xffff  }
0x123: {  	[tilespmem:s24+$0xFFFFFDE0] =	vst v15;
	v14 =	vld.idx.msk [tilespmem:v44+s9+$0x0], $0xffff  }
0x124: {  	[tilespmem:s24+$0xFFFFFDF0] =	vst v16;
	v15 =	vld.idx.msk [tilespmem:v45+s9+$0x0], $0xffff  }
0x125: {  	[tilespmem:s24+$0xFFFFFE00] =	vst v19;
	v16 =	vld.idx.msk [tilespmem:v22+s9+$0x0], $0xffff  }
0x126: {  	v18 =	vld.idx.msk [tilespmem:v46+s9+$0x0], $0xffff;
	[tilespmem:s24+$0xFFFFFE10] =	vst v10  }
0x127: {  	[tilespmem:s24+$0xFFFFFE20] =	vst v13;
	v10 =	vld.idx.msk [tilespmem:v47+s9+$0x0], $0xffff  }
0x128: {  	[tilespmem:s24+$0xFFFFFE30] =	vst v12;
	v12 =	vld.idx.msk [tilespmem:v24+s9+$0x0], $0xffff  }
0x129: {  	[tilespmem:s24+$0xFFFFFE40] =	vst v11;
	v11 =	vld.idx.msk [tilespmem:v48+s9+$0x0], $0xffff  }
0x12a: {  	[tilespmem:s24+$0xFFFFFE50] =	vst v14;
	v13 =	vld.idx.msk [tilespmem:v49+s9+$0x0], $0xffff  }
0x12b: {  	[tilespmem:s24+$0xFFFFFE60] =	vst v15;
	v14 =	vld.idx.msk [tilespmem:v27+s9+$0x0], $0xffff  }
0x12c: {  	[tilespmem:s24+$0xFFFFFE70] =	vst v16;
	v15 =	vld.idx.msk [tilespmem:v50+s9+$0x0], $0xffff  }
0x12d: {  	[tilespmem:s24+$0xFFFFFE80] =	vst v18;
	v18 =	vld.idx.msk [tilespmem:v51+s9+$0x0], $0xffff  }
0x12e: {  	v19 =	vld.idx.msk [tilespmem:v28+s9+$0x0], $0xffff;
	[tilespmem:s24+$0xFFFFFE90] =	vst v10  }
0x12f: {  	[tilespmem:s24+$0xFFFFFEA0] =	vst v12;
	v10 =	vld.idx.msk [tilespmem:v52+s9+$0x0], $0xffff  }
0x130: {  	[tilespmem:s24+$0xFFFFFEB0] =	vst v11;
	v11 =	vld.idx.msk [tilespmem:v53+s9+$0x0], $0xffff  }
0x131: {  	[tilespmem:s24+$0xFFFFFEC0] =	vst v13;
	v20 =	vld.idx.msk [tilespmem:v29+s9+$0x0], $0xffff  }
0x132: {  	[tilespmem:s24+$0xFFFFFED0] =	vst v14;
	v21 =	vld.idx.msk [tilespmem:v54+s9+$0x0], $0xffff  }
0x133: {  	[tilespmem:s24+$0xFFFFFEE0] =	vst v15;
	v16 =	vld.idx.msk [tilespmem:v55+s9+$0x0], $0xffff  }
0x134: {  	[tilespmem:s24+$0xFFFFFEF0] =	vst v18;
	v15 =	vld.idx.msk [tilespmem:v17+s9+$0x0], $0xffff  }
.Ltmp1:
0x135: {  	[tilespmem:s24+$0xFFFFFF00] =	vst v19;
	v14 =	vld.idx.msk [tilespmem:v31+s9+$0x0], $0xffff;
	(pc) =	sbr.rel @p1 .LBB2_5-.Ltmp1, $4  }
0x136: {  	v13 =	vld.idx.msk [tilespmem:v56+s9+$0x0], $0xffff;
	[tilespmem:s24+$0xFFFFFF10] =	vst v10  }
0x137: {  	v12 =	vld.idx.msk [tilespmem:v1+s9+$0x0], $0xffff;
	[tilespmem:s24+$0xFFFFFF20] =	vst v11  }
0x138: {  	v11 =	vld.idx.msk [tilespmem:v2+s9+$0x0], $0xffff;
	[tilespmem:s24+$0xFFFFFF30] =	vst v20  }
0x139: {  	v9 =	vadd.s32 $0x200, v9;
	v10 =	vld.idx.msk [tilespmem:v6+s9+$0x0], $0xffff;
	[tilespmem:s24+$0xFFFFFF40] =	vst v21  }
0x13a: {  	_ =	sdelay $0x3  }
0x13b: {  	v0 =	vld.idx.msk [tilespmem:v3+s9+$0x0], $0xffff;
	[tilespmem:s24+$0xFFFFFF50] =	vst v16  }
0x13c: {  	v1 =	vld.idx.msk [tilespmem:v4+s9+$0x0], $0xffff;
	[tilespmem:s24+$0xFFFFFF60] =	vst v15  }
0x13d: {  	v2 =	vld.idx.msk [tilespmem:v5+s9+$0x0], $0xffff;
	[tilespmem:s24+$0xFFFFFF70] =	vst v14  }
0x13e: {  	v3 =	vld.idx.msk [tilespmem:v8+s9+$0x0], $0xffff;
	[tilespmem:s24+$0xFFFFFC10] =	vst v7  }
0x13f: {  	[tilespmem:s24+$0xFFFFFF80] =	vst v13  }
0x140: {  	[tilespmem:s24+$0xFFFFFC20] =	vst v12  }
0x141: {  	[tilespmem:s24+$0xFFFFFC30] =	vst v11  }
0x142: {  	[tilespmem:s24+$0xFFFFFC40] =	vst v10  }
0x143: {  	s23 =	sshll.u32 s23, $0xA;
	[tilespmem:s24+$0xFFFFFC50] =	vst v0  }
0x144: {  	s23 =	sadd.s32 s6, s23;
	[tilespmem:s24+$0xFFFFFC60] =	vst v1  }
0x145: {  	s23 =	sshrl.u32 s23, $0x3;
	[tilespmem:s24+$0xFFFFFC70] =	vst v2  }
0x146: {  	s23 =	sadd.s32 s2, s23;
	[tilespmem:s24+$0xFFFFFC80] =	vst v3;
	s24 =	simm.s32 @!p0 $0x3  }
0x147: {  	[hbm4b:s23+s10] =	stream.strided.scatter [tilespmem:s13], [sflag:$0x2], $0x3C00, s11, s10, $0x38;
	[tilespmem:$0x11E00] =	vst v63  }
0x148: {  	s23 =	sor.u32 $0x2, s22;
	_ =	swait.ge @!p0 [sflag:s24], $0x3C00  }
0x149: {  	s25 =	sshll.u32 s23, $0x7;
	[sflag:s24] =	ssyncset.done @!p0 $0x0  }
0x14a: {  	s31 =	sand.u32 $0x3FFFFF80, s25;
	[sflag:s24] =	ssyncadd.s32 @!p0 $0xFFFFC400  }
0x14b: {  	v8 =	vld [tilespmem:s31+$0x0]  }
0x14c: {  	v0 =	vld [tilespmem:s31+$0x70]  }
0x14d: {  	v1 =	vld [tilespmem:s31+$0x10]  }
0x14e: {  	v2 =	vld [tilespmem:s31+$0x20]  }
0x14f: {  	v6 =	vld [tilespmem:s31+$0x30]  }
0x150: {  	v3 =	vld [tilespmem:s31+$0x40];
	v7 =	vadd.s32 $0x1C0, v8  }
0x151: {  	v4 =	vld [tilespmem:s31+$0x50];
	v9 =	vadd.s32 $0x1C0, v0  }
0x152: {  	v5 =	vld [tilespmem:s31+$0x60];
	v10 =	vadd.s32 $0x1C0, v1  }
0x153: {  	v11 =	vadd.s32 $0x1C0, v2  }
0x154: {  	v12 =	vadd.s32 $0x1C0, v6  }
0x155: {  	v13 =	vadd.s32 $0x1C0, v3;
	v7 =	vld.idx.msk [tilespmem:v7+s9+$0x0], $0xffff  }
0x156: {  	v14 =	vadd.s32 $0x1C0, v4;
	v9 =	vld.idx.msk [tilespmem:v9+s9+$0x0], $0xffff  }
0x157: {  	v15 =	vadd.s32 $0x1C0, v5;
	v10 =	vld.idx.msk [tilespmem:v10+s9+$0x0], $0xffff  }
0x158: {  	v16 =	vadd.s32 $0x40, v8;
	v11 =	vld.idx.msk [tilespmem:v11+s9+$0x0], $0xffff  }
0x159: {  	v17 =	vadd.s32 $0x40, v1;
	v12 =	vld.idx.msk [tilespmem:v12+s9+$0x0], $0xffff  }
0x15a: {  	v18 =	vadd.s32 $0x40, v2;
	v13 =	vld.idx.msk [tilespmem:v13+s9+$0x0], $0xffff  }
0x15b: {  	v19 =	vadd.s32 $0x40, v6;
	v14 =	vld.idx.msk [tilespmem:v14+s9+$0x0], $0xffff  }
0x15c: {  	s24 =	simm.s32 $0xA600;
	v20 =	vadd.s32 $0x40, v3;
	v15 =	vld.idx.msk [tilespmem:v15+s9+$0x0], $0xffff  }
0x15d: {  	v21 =	vadd.s32 $0x40, v4;
	[tilespmem:s24+$0x3F0] =	vst v9;
	v9 =	vld.idx.msk [tilespmem:v16+s9+$0x0], $0xffff  }
0x15e: {  	v62 =	vadd.s32 $0x180, v1;
	[tilespmem:s24+$0x380] =	vst v7;
	v7 =	vld.idx.msk [tilespmem:v17+s9+$0x0], $0xffff  }
0x15f: {  	v16 =	vadd.s32 $0x40, v5;
	[tilespmem:s24+$0x390] =	vst v10;
	v10 =	vld.idx.msk [tilespmem:v18+s9+$0x0], $0xffff  }
0x160: {  	v17 =	vadd.s32 $0x40, v0;
	[tilespmem:s24+$0x3A0] =	vst v11;
	v11 =	vld.idx.msk [tilespmem:v19+s9+$0x0], $0xffff  }
0x161: {  	v18 =	vadd.s32 $0x80, v8;
	[tilespmem:s24+$0x3B0] =	vst v12;
	v12 =	vld.idx.msk [tilespmem:v20+s9+$0x0], $0xffff  }
0x162: {  	v19 =	vadd.s32 $0x80, v1;
	[tilespmem:s24+$0x3C0] =	vst v13;
	v13 =	vld.idx.msk [tilespmem:v21+s9+$0x0], $0xffff  }
0x163: {  	v51 =	vadd.s32 $0x80, v2;
	[tilespmem:s24+$0x3D0] =	vst v14;
	v21 =	vld.idx.msk [tilespmem:v62+s9+$0x0], $0xffff  }
0x164: {  	v52 =	vadd.s32 $0x80, v6;
	[tilespmem:s24+$0x3E0] =	vst v15;
	v14 =	vld.idx.msk [tilespmem:v16+s9+$0x0], $0xffff  }
0x165: {  	v16 =	vadd.s32 $0x80, v3;
	v15 =	vld.idx.msk [tilespmem:v17+s9+$0x0], $0xffff;
	[tilespmem:s24+$0x80] =	vst v9  }
0x166: {  	v17 =	vadd.s32 $0x80, v4;
	v9 =	vld.idx.msk [tilespmem:v18+s9+$0x0], $0xffff;
	[tilespmem:s24+$0x90] =	vst v7  }
0x167: {  	v18 =	vadd.s32 $0x80, v5;
	v7 =	vld.idx.msk [tilespmem:v19+s9+$0x0], $0xffff;
	[tilespmem:s24+$0xA0] =	vst v10  }
0x168: {  	v19 =	vadd.s32 $0x80, v0;
	v10 =	vld.idx.msk [tilespmem:v51+s9+$0x0], $0xffff;
	[tilespmem:s24+$0xB0] =	vst v11  }
0x169: {  	v53 =	vadd.s32 $0xC0, v8;
	v11 =	vld.idx.msk [tilespmem:v52+s9+$0x0], $0xffff;
	[tilespmem:s24+$0xC0] =	vst v12  }
0x16a: {  	v54 =	vadd.s32 $0xC0, v1;
	[tilespmem:s24+$0xD0] =	vst v13;
	v12 =	vld.idx.msk [tilespmem:v16+s9+$0x0], $0xffff  }
0x16b: {  	v16 =	vadd.s32 $0xC0, v2;
	v13 =	vld.idx.msk [tilespmem:v17+s9+$0x0], $0xffff;
	[tilespmem:s24+$0xE0] =	vst v14  }
0x16c: {  	v17 =	vadd.s32 $0xC0, v6;
	v14 =	vld.idx.msk [tilespmem:v18+s9+$0x0], $0xffff;
	[tilespmem:s24+$0xF0] =	vst v15  }
0x16d: {  	v18 =	vadd.s32 $0xC0, v3;
	v15 =	vld.idx.msk [tilespmem:v19+s9+$0x0], $0xffff;
	[tilespmem:s24+$0x100] =	vst v9  }
0x16e: {  	v19 =	vadd.s32 $0xC0, v4;
	v9 =	vld.idx.msk [tilespmem:v53+s9+$0x0], $0xffff;
	[tilespmem:s24+$0x110] =	vst v7  }
0x16f: {  	v55 =	vadd.s32 $0xC0, v5;
	v7 =	vld.idx.msk [tilespmem:v54+s9+$0x0], $0xffff;
	[tilespmem:s24+$0x120] =	vst v10  }
0x170: {  	v56 =	vadd.s32 $0xC0, v0;
	[tilespmem:s24+$0x130] =	vst v11;
	v10 =	vld.idx.msk [tilespmem:v16+s9+$0x0], $0xffff  }
0x171: {  	v16 =	vadd.s32 $0x100, v8;
	v11 =	vld.idx.msk [tilespmem:v17+s9+$0x0], $0xffff;
	[tilespmem:s24+$0x140] =	vst v12  }
0x172: {  	v17 =	vadd.s32 $0x100, v1;
	v12 =	vld.idx.msk [tilespmem:v18+s9+$0x0], $0xffff;
	[tilespmem:s24+$0x150] =	vst v13  }
0x173: {  	v18 =	vadd.s32 $0x100, v2;
	v13 =	vld.idx.msk [tilespmem:v19+s9+$0x0], $0xffff;
	[tilespmem:s24+$0x160] =	vst v14  }
0x174: {  	v19 =	vadd.s32 $0x100, v6;
	v14 =	vld.idx.msk [tilespmem:v55+s9+$0x0], $0xffff;
	[tilespmem:s24+$0x170] =	vst v15  }
0x175: {  	v57 =	vadd.s32 $0x100, v3;
	v15 =	vld.idx.msk [tilespmem:v56+s9+$0x0], $0xffff;
	[tilespmem:s24+$0x180] =	vst v9  }
0x176: {  	v58 =	vadd.s32 $0x100, v4;
	[tilespmem:s24+$0x190] =	vst v7;
	v9 =	vld.idx.msk [tilespmem:v16+s9+$0x0], $0xffff  }
0x177: {  	v16 =	vadd.s32 $0x100, v5;
	v7 =	vld.idx.msk [tilespmem:v17+s9+$0x0], $0xffff;
	[tilespmem:s24+$0x1A0] =	vst v10  }
0x178: {  	v17 =	vadd.s32 $0x100, v0;
	v10 =	vld.idx.msk [tilespmem:v18+s9+$0x0], $0xffff;
	[tilespmem:s24+$0x1B0] =	vst v11  }
0x179: {  	v18 =	vadd.s32 $0x140, v8;
	v11 =	vld.idx.msk [tilespmem:v19+s9+$0x0], $0xffff;
	[tilespmem:s24+$0x1C0] =	vst v12  }
0x17a: {  	v19 =	vadd.s32 $0x140, v1;
	v12 =	vld.idx.msk [tilespmem:v57+s9+$0x0], $0xffff;
	[tilespmem:s24+$0x1D0] =	vst v13  }
0x17b: {  	v59 =	vadd.s32 $0x140, v2;
	v13 =	vld.idx.msk [tilespmem:v58+s9+$0x0], $0xffff;
	[tilespmem:s24+$0x1E0] =	vst v14  }
0x17c: {  	v60 =	vadd.s32 $0x140, v6;
	[tilespmem:s24+$0x1F0] =	vst v15;
	v14 =	vld.idx.msk [tilespmem:v16+s9+$0x0], $0xffff  }
0x17d: {  	v16 =	vadd.s32 $0x140, v3;
	v15 =	vld.idx.msk [tilespmem:v17+s9+$0x0], $0xffff;
	[tilespmem:s24+$0x200] =	vst v9  }
0x17e: {  	v17 =	vadd.s32 $0x140, v4;
	v9 =	vld.idx.msk [tilespmem:v18+s9+$0x0], $0xffff;
	[tilespmem:s24+$0x210] =	vst v7  }
0x17f: {  	v18 =	vadd.s32 $0x140, v5;
	v7 =	vld.idx.msk [tilespmem:v19+s9+$0x0], $0xffff;
	[tilespmem:s24+$0x220] =	vst v10  }
0x180: {  	v19 =	vadd.s32 $0x140, v0;
	v10 =	vld.idx.msk [tilespmem:v59+s9+$0x0], $0xffff;
	[tilespmem:s24+$0x230] =	vst v11  }
0x181: {  	v61 =	vadd.s32 $0x180, v8;
	v11 =	vld.idx.msk [tilespmem:v60+s9+$0x0], $0xffff;
	[tilespmem:s24+$0x240] =	vst v12  }
0x182: {  	[tilespmem:s24+$0x250] =	vst v13;
	v12 =	vld.idx.msk [tilespmem:v16+s9+$0x0], $0xffff  }
0x183: {  	v16 =	vadd.s32 $0x180, v2;
	v13 =	vld.idx.msk [tilespmem:v17+s9+$0x0], $0xffff;
	[tilespmem:s24+$0x260] =	vst v14  }
0x184: {  	v17 =	vadd.s32 $0x180, v6;
	v14 =	vld.idx.msk [tilespmem:v18+s9+$0x0], $0xffff;
	[tilespmem:s24+$0x270] =	vst v15  }
0x185: {  	v18 =	vadd.s32 $0x180, v3;
	v19 =	vld.idx.msk [tilespmem:v19+s9+$0x0], $0xffff;
	[tilespmem:s24+$0x280] =	vst v9  }
0x186: {  	v15 =	vadd.s32 $0x180, v4;
	v9 =	vld.idx.msk [tilespmem:v61+s9+$0x0], $0xffff;
	[tilespmem:s24+$0x290] =	vst v7  }
0x187: {  	v63 =	vadd.s32 $0x180, v5;
	[tilespmem:s24+$0x2B0] =	vst v11;
	v11 =	vld.idx.msk [tilespmem:v2+s9+$0x0], $0xffff  }
0x188: {  	v7 =	vadd.s32 $0x180, v0;
	[tilespmem:s24+$0x2A0] =	vst v10;
	v10 =	vld.idx.msk [tilespmem:v16+s9+$0x0], $0xffff  }
0x189: {  	v17 =	vld.idx.msk [tilespmem:v17+s9+$0x0], $0xffff;
	[tilespmem:s24+$0x2C0] =	vst v12  }
0x18a: {  	v16 =	vld.idx.msk [tilespmem:v18+s9+$0x0], $0xffff;
	[tilespmem:s24+$0x2D0] =	vst v13  }
0x18b: {  	v15 =	vld.idx.msk [tilespmem:v15+s9+$0x0], $0xffff;
	[tilespmem:s24+$0x2E0] =	vst v14  }
0x18c: {  	v14 =	vld.idx.msk [tilespmem:v63+s9+$0x0], $0xffff;
	[tilespmem:s24+$0x2F0] =	vst v19  }
0x18d: {  	v13 =	vld.idx.msk [tilespmem:v7+s9+$0x0], $0xffff;
	[tilespmem:s24+$0x300] =	vst v9  }
0x18e: {  	v7 =	vld.idx.msk [tilespmem:v8+s9+$0x0], $0xffff;
	[tilespmem:s24+$0x310] =	vst v21  }
0x18f: {  	v12 =	vld.idx.msk [tilespmem:v1+s9+$0x0], $0xffff;
	v9 =	vadd.s32 $0x200, v8;
	v8 =	vmov v0;
	[tilespmem:s24+$0x320] =	vst v10  }
0x190: {  	s25 =	simm.s32 $0x0;
	v10 =	vld.idx.msk [tilespmem:v6+s9+$0x0], $0xffff;
	[tilespmem:s24+$0x330] =	vst v17  }
.LBB2_7:
0x191: {  	v17 =	vadd.s32 $0x40, v9;
	v18 =	vadd.s32 $0x1C0, v9;
	v19 =	vld.idx.msk [tilespmem:v3+s9+$0x0], $0xffff;
	[tilespmem:s24+$0x340] =	vst v16;
	v0 =	vadd.s32 $0x200, v0  }
0x192: {  	s25 =	sadd.s32 $0x8, s25;
	v1 =	vadd.s32 $0x200, v1;
	v16 =	vadd.s32 $0x40, v0;
	v20 =	vadd.s32 $0x1C0, v0;
	v21 =	vld.idx.msk [tilespmem:v4+s9+$0x0], $0xffff;
	[tilespmem:s24+$0x350] =	vst v15  }
0x193: {  	v2 =	vadd.s32 $0x200, v2;
	v15 =	vadd.s32 $0x40, v1;
	v22 =	vadd.s32 $0x1C0, v1;
	p1 =	slt.u32 s25, $0x70;
	v23 =	vld.idx.msk [tilespmem:v5+s9+$0x0], $0xffff;
	[tilespmem:s24+$0x360] =	vst v14  }
0x194: {  	v6 =	vadd.s32 $0x200, v6;
	v24 =	vadd.s32 $0x1C0, v2;
	v14 =	vadd.s32 $0x40, v2;
	v25 =	vld.idx.msk [tilespmem:v8+s9+$0x0], $0xffff;
	[tilespmem:s24+$0x370] =	vst v13;
	v8 =	vmovc v0  }
0x195: {  	v3 =	vadd.s32 $0x200, v3;
	v26 =	vadd.s32 $0x1C0, v6;
	v13 =	vadd.s32 $0x40, v6;
	[tilespmem:s24+$0x0] =	vst v7;
	v7 =	vld.idx.msk [tilespmem:v9+s9+$0x0], $0xffff  }
0x196: {  	v27 =	vadd.s32 $0x40, v3;
	v28 =	vadd.s32 $0x1C0, v3;
	v4 =	vadd.s32 $0x200, v4;
	v18 =	vld.idx.msk [tilespmem:v18+s9+$0x0], $0xffff;
	[tilespmem:s24+$0x10] =	vst v12  }
0x197: {  	v29 =	vadd.s32 $0x1C0, v4;
	v5 =	vadd.s32 $0x200, v5;
	v12 =	vadd.s32 $0x40, v4;
	v20 =	vld.idx.msk [tilespmem:v20+s9+$0x0], $0xffff;
	[tilespmem:s24+$0x20] =	vst v11  }
0x198: {  	v30 =	vadd.s32 $0x80, v9;
	v31 =	vadd.s32 $0x1C0, v5;
	v11 =	vadd.s32 $0x40, v5;
	v22 =	vld.idx.msk [tilespmem:v22+s9+$0x0], $0xffff;
	[tilespmem:s24+$0x30] =	vst v10  }
0x199: {  	v32 =	vadd.s32 $0x80, v2;
	v33 =	vadd.s32 $0x80, v6;
	v10 =	vadd.s32 $0x80, v1;
	v24 =	vld.idx.msk [tilespmem:v24+s9+$0x0], $0xffff;
	[tilespmem:s24+$0x40] =	vst v19  }
0x19a: {  	v34 =	vadd.s32 $0x80, v4;
	v35 =	vadd.s32 $0x80, v5;
	v19 =	vadd.s32 $0x80, v3;
	v26 =	vld.idx.msk [tilespmem:v26+s9+$0x0], $0xffff;
	[tilespmem:s24+$0x50] =	vst v21  }
0x19b: {  	v36 =	vadd.s32 $0xC0, v9;
	v37 =	vadd.s32 $0xC0, v1;
	v21 =	vadd.s32 $0x80, v0;
	v28 =	vld.idx.msk [tilespmem:v28+s9+$0x0], $0xffff;
	[tilespmem:s24+$0x60] =	vst v23  }
0x19c: {  	v38 =	vadd.s32 $0xC0, v6;
	v39 =	vadd.s32 $0xC0, v3;
	v23 =	vadd.s32 $0xC0, v2;
	v29 =	vld.idx.msk [tilespmem:v29+s9+$0x0], $0xffff;
	[tilespmem:s24+$0x70] =	vst v25;
	s24 =	sadd.s32 $0x400, s24  }
0x19d: {  	v41 =	vadd.s32 $0xC0, v0;
	v40 =	vadd.s32 $0xC0, v5;
	v25 =	vadd.s32 $0xC0, v4;
	v31 =	vld.idx.msk [tilespmem:v31+s9+$0x0], $0xffff;
	[tilespmem:s24+$0x3F0] =	vst v20  }
0x19e: {  	v42 =	vadd.s32 $0x100, v1;
	v43 =	vadd.s32 $0x100, v2;
	v20 =	vadd.s32 $0x100, v9;
	v17 =	vld.idx.msk [tilespmem:v17+s9+$0x0], $0xffff;
	[tilespmem:s24+$0x380] =	vst v18  }
0x19f: {  	v44 =	vadd.s32 $0x100, v3;
	v45 =	vadd.s32 $0x100, v4;
	v18 =	vadd.s32 $0x100, v6;
	v15 =	vld.idx.msk [tilespmem:v15+s9+$0x0], $0xffff;
	[tilespmem:s24+$0x390] =	vst v22  }
0x1a0: {  	v47 =	vadd.s32 $0x140, v9;
	v46 =	vadd.s32 $0x100, v0;
	v22 =	vadd.s32 $0x100, v5;
	v14 =	vld.idx.msk [tilespmem:v14+s9+$0x0], $0xffff;
	[tilespmem:s24+$0x3A0] =	vst v24  }
0x1a1: {  	v48 =	vadd.s32 $0x140, v2;
	v49 =	vadd.s32 $0x140, v6;
	v24 =	vadd.s32 $0x140, v1;
	v13 =	vld.idx.msk [tilespmem:v13+s9+$0x0], $0xffff;
	[tilespmem:s24+$0x3B0] =	vst v26  }
0x1a2: {  	v50 =	vadd.s32 $0x140, v4;
	v51 =	vadd.s32 $0x140, v5;
	v26 =	vld.idx.msk [tilespmem:v27+s9+$0x0], $0xffff;
	v27 =	vadd.s32 $0x140, v3;
	[tilespmem:s24+$0x3C0] =	vst v28  }
0x1a3: {  	v52 =	vadd.s32 $0x180, v9;
	v53 =	vadd.s32 $0x180, v1;
	v28 =	vadd.s32 $0x140, v0;
	v12 =	vld.idx.msk [tilespmem:v12+s9+$0x0], $0xffff;
	[tilespmem:s24+$0x3D0] =	vst v29  }
0x1a4: {  	v54 =	vadd.s32 $0x180, v6;
	v55 =	vadd.s32 $0x180, v3;
	v29 =	vadd.s32 $0x180, v2;
	v11 =	vld.idx.msk [tilespmem:v11+s9+$0x0], $0xffff;
	[tilespmem:s24+$0x3E0] =	vst v31  }
0x1a5: {  	v56 =	vadd.s32 $0x180, v0;
	v31 =	vadd.s32 $0x180, v5;
	v16 =	vld.idx.msk [tilespmem:v16+s9+$0x0], $0xffff;
	[tilespmem:s24+$0x80] =	vst v17;
	v17 =	vadd.s32 $0x180, v4  }
0x1a6: {  	[tilespmem:s24+$0x90] =	vst v15;
	v15 =	vld.idx.msk [tilespmem:v30+s9+$0x0], $0xffff  }
0x1a7: {  	[tilespmem:s24+$0xA0] =	vst v14;
	v10 =	vld.idx.msk [tilespmem:v10+s9+$0x0], $0xffff  }
0x1a8: {  	[tilespmem:s24+$0xB0] =	vst v13;
	v13 =	vld.idx.msk [tilespmem:v32+s9+$0x0], $0xffff  }
0x1a9: {  	[tilespmem:s24+$0xC0] =	vst v26;
	v14 =	vld.idx.msk [tilespmem:v33+s9+$0x0], $0xffff  }
0x1aa: {  	[tilespmem:s24+$0xD0] =	vst v12;
	v12 =	vld.idx.msk [tilespmem:v19+s9+$0x0], $0xffff  }
0x1ab: {  	[tilespmem:s24+$0xE0] =	vst v11;
	v11 =	vld.idx.msk [tilespmem:v34+s9+$0x0], $0xffff  }
0x1ac: {  	[tilespmem:s24+$0xF0] =	vst v16;
	v16 =	vld.idx.msk [tilespmem:v35+s9+$0x0], $0xffff  }
0x1ad: {  	v19 =	vld.idx.msk [tilespmem:v21+s9+$0x0], $0xffff;
	[tilespmem:s24+$0x100] =	vst v15  }
0x1ae: {  	[tilespmem:s24+$0x110] =	vst v10;
	v10 =	vld.idx.msk [tilespmem:v36+s9+$0x0], $0xffff  }
0x1af: {  	[tilespmem:s24+$0x120] =	vst v13;
	v13 =	vld.idx.msk [tilespmem:v37+s9+$0x0], $0xffff  }
0x1b0: {  	[tilespmem:s24+$0x130] =	vst v14;
	v14 =	vld.idx.msk [tilespmem:v23+s9+$0x0], $0xffff  }
0x1b1: {  	[tilespmem:s24+$0x140] =	vst v12;
	v12 =	vld.idx.msk [tilespmem:v38+s9+$0x0], $0xffff  }
0x1b2: {  	[tilespmem:s24+$0x150] =	vst v11;
	v11 =	vld.idx.msk [tilespmem:v39+s9+$0x0], $0xffff  }
0x1b3: {  	[tilespmem:s24+$0x160] =	vst v16;
	v15 =	vld.idx.msk [tilespmem:v25+s9+$0x0], $0xffff  }
0x1b4: {  	[tilespmem:s24+$0x170] =	vst v19;
	v16 =	vld.idx.msk [tilespmem:v40+s9+$0x0], $0xffff  }
0x1b5: {  	v19 =	vld.idx.msk [tilespmem:v41+s9+$0x0], $0xffff;
	[tilespmem:s24+$0x180] =	vst v10  }
0x1b6: {  	[tilespmem:s24+$0x190] =	vst v13;
	v10 =	vld.idx.msk [tilespmem:v20+s9+$0x0], $0xffff  }
0x1b7: {  	[tilespmem:s24+$0x1A0] =	vst v14;
	v13 =	vld.idx.msk [tilespmem:v42+s9+$0x0], $0xffff  }
0x1b8: {  	[tilespmem:s24+$0x1B0] =	vst v12;
	v12 =	vld.idx.msk [tilespmem:v43+s9+$0x0], $0xffff  }
0x1b9: {  	[tilespmem:s24+$0x1C0] =	vst v11;
	v11 =	vld.idx.msk [tilespmem:v18+s9+$0x0], $0xffff  }
0x1ba: {  	[tilespmem:s24+$0x1D0] =	vst v15;
	v14 =	vld.idx.msk [tilespmem:v44+s9+$0x0], $0xffff  }
0x1bb: {  	[tilespmem:s24+$0x1E0] =	vst v16;
	v15 =	vld.idx.msk [tilespmem:v45+s9+$0x0], $0xffff  }
0x1bc: {  	[tilespmem:s24+$0x1F0] =	vst v19;
	v16 =	vld.idx.msk [tilespmem:v22+s9+$0x0], $0xffff  }
0x1bd: {  	v18 =	vld.idx.msk [tilespmem:v46+s9+$0x0], $0xffff;
	[tilespmem:s24+$0x200] =	vst v10  }
0x1be: {  	[tilespmem:s24+$0x210] =	vst v13;
	v10 =	vld.idx.msk [tilespmem:v47+s9+$0x0], $0xffff  }
0x1bf: {  	[tilespmem:s24+$0x220] =	vst v12;
	v12 =	vld.idx.msk [tilespmem:v24+s9+$0x0], $0xffff  }
0x1c0: {  	[tilespmem:s24+$0x230] =	vst v11;
	v11 =	vld.idx.msk [tilespmem:v48+s9+$0x0], $0xffff  }
0x1c1: {  	[tilespmem:s24+$0x240] =	vst v14;
	v13 =	vld.idx.msk [tilespmem:v49+s9+$0x0], $0xffff  }
0x1c2: {  	[tilespmem:s24+$0x250] =	vst v15;
	v14 =	vld.idx.msk [tilespmem:v27+s9+$0x0], $0xffff  }
0x1c3: {  	[tilespmem:s24+$0x260] =	vst v16;
	v15 =	vld.idx.msk [tilespmem:v50+s9+$0x0], $0xffff  }
0x1c4: {  	[tilespmem:s24+$0x270] =	vst v18;
	v18 =	vld.idx.msk [tilespmem:v51+s9+$0x0], $0xffff  }
0x1c5: {  	v19 =	vld.idx.msk [tilespmem:v28+s9+$0x0], $0xffff;
	[tilespmem:s24+$0x280] =	vst v10  }
0x1c6: {  	[tilespmem:s24+$0x290] =	vst v12;
	v10 =	vld.idx.msk [tilespmem:v52+s9+$0x0], $0xffff  }
0x1c7: {  	[tilespmem:s24+$0x2A0] =	vst v11;
	v11 =	vld.idx.msk [tilespmem:v53+s9+$0x0], $0xffff  }
0x1c8: {  	[tilespmem:s24+$0x2B0] =	vst v13;
	v20 =	vld.idx.msk [tilespmem:v29+s9+$0x0], $0xffff  }
0x1c9: {  	[tilespmem:s24+$0x2C0] =	vst v14;
	v21 =	vld.idx.msk [tilespmem:v54+s9+$0x0], $0xffff  }
0x1ca: {  	[tilespmem:s24+$0x2D0] =	vst v15;
	v16 =	vld.idx.msk [tilespmem:v55+s9+$0x0], $0xffff  }
0x1cb: {  	[tilespmem:s24+$0x2E0] =	vst v18;
	v15 =	vld.idx.msk [tilespmem:v17+s9+$0x0], $0xffff  }
.Ltmp2:
0x1cc: {  	[tilespmem:s24+$0x2F0] =	vst v19;
	v14 =	vld.idx.msk [tilespmem:v31+s9+$0x0], $0xffff;
	(pc) =	sbr.rel @p1 .LBB2_7-.Ltmp2, $4  }
0x1cd: {  	v13 =	vld.idx.msk [tilespmem:v56+s9+$0x0], $0xffff;
	[tilespmem:s24+$0x300] =	vst v10  }
0x1ce: {  	v12 =	vld.idx.msk [tilespmem:v1+s9+$0x0], $0xffff;
	[tilespmem:s24+$0x310] =	vst v11  }
0x1cf: {  	v11 =	vld.idx.msk [tilespmem:v2+s9+$0x0], $0xffff;
	[tilespmem:s24+$0x320] =	vst v20  }
0x1d0: {  	v9 =	vadd.s32 $0x200, v9;
	v10 =	vld.idx.msk [tilespmem:v6+s9+$0x0], $0xffff;
	[tilespmem:s24+$0x330] =	vst v21  }
0x1d1: {  	_ =	sdelay $0x3  }
0x1d2: {  	v0 =	vld.idx.msk [tilespmem:v3+s9+$0x0], $0xffff;
	[tilespmem:s24+$0x340] =	vst v16  }
0x1d3: {  	v1 =	vld.idx.msk [tilespmem:v4+s9+$0x0], $0xffff;
	[tilespmem:s24+$0x350] =	vst v15  }
0x1d4: {  	v2 =	vld.idx.msk [tilespmem:v5+s9+$0x0], $0xffff;
	[tilespmem:s24+$0x360] =	vst v14  }
0x1d5: {  	v3 =	vld.idx.msk [tilespmem:v8+s9+$0x0], $0xffff;
	[tilespmem:s24+$0x0] =	vst v7  }
0x1d6: {  	[tilespmem:s24+$0x370] =	vst v13  }
0x1d7: {  	[tilespmem:s24+$0x10] =	vst v12  }
0x1d8: {  	[tilespmem:s24+$0x20] =	vst v11  }
0x1d9: {  	[tilespmem:s24+$0x30] =	vst v10  }
0x1da: {  	s23 =	sshll.u32 s23, $0xA;
	[tilespmem:s24+$0x40] =	vst v0  }
0x1db: {  	s23 =	sadd.s32 s6, s23;
	[tilespmem:s24+$0x50] =	vst v1  }
0x1dc: {  	s23 =	sshrl.u32 s23, $0x3;
	[tilespmem:s24+$0x60] =	vst v2  }
0x1dd: {  	s23 =	sadd.s32 s2, s23;
	[tilespmem:s24+$0x70] =	vst v3  }
0x1de: {  	[hbm4b:s23+s10] =	stream.strided.scatter [tilespmem:s14], [sflag:$0x3], $0x3C00, s11, s10, $0x38;
	[tilespmem:$0x11E00] =	vst v63  }
0x1df: {  	s23 =	simm.s32 @!p0 $0x4  }
0x1e0: {  	s22 =	sor.u32 $0x3, s22;
	_ =	swait.ge @!p0 [sflag:s23], $0x3C00  }
0x1e1: {  	s30 =	sshll.u32 s22, $0x7;
	[sflag:s23] =	ssyncset.done @!p0 $0x0  }
0x1e2: {  	s31 =	sand.u32 $0x3FFFFF80, s30;
	[sflag:s23] =	ssyncadd.s32 @!p0 $0xFFFFC400  }
0x1e3: {  	v8 =	vld [tilespmem:s31+$0x0]  }
0x1e4: {  	v0 =	vld [tilespmem:s31+$0x70]  }
0x1e5: {  	v1 =	vld [tilespmem:s31+$0x10]  }
0x1e6: {  	v2 =	vld [tilespmem:s31+$0x20]  }
0x1e7: {  	v6 =	vld [tilespmem:s31+$0x30]  }
0x1e8: {  	v3 =	vld [tilespmem:s31+$0x40];
	v7 =	vadd.s32 $0x1C0, v8  }
0x1e9: {  	v4 =	vld [tilespmem:s31+$0x50];
	v9 =	vadd.s32 $0x1C0, v0  }
0x1ea: {  	v5 =	vld [tilespmem:s31+$0x60];
	v10 =	vadd.s32 $0x1C0, v1  }
0x1eb: {  	v11 =	vadd.s32 $0x1C0, v2  }
0x1ec: {  	v12 =	vadd.s32 $0x1C0, v6  }
0x1ed: {  	v13 =	vadd.s32 $0x1C0, v3;
	v7 =	vld.idx.msk [tilespmem:v7+s9+$0x0], $0xffff  }
0x1ee: {  	v14 =	vadd.s32 $0x1C0, v4;
	v9 =	vld.idx.msk [tilespmem:v9+s9+$0x0], $0xffff  }
0x1ef: {  	v15 =	vadd.s32 $0x1C0, v5;
	v10 =	vld.idx.msk [tilespmem:v10+s9+$0x0], $0xffff  }
0x1f0: {  	v16 =	vadd.s32 $0x40, v8;
	v11 =	vld.idx.msk [tilespmem:v11+s9+$0x0], $0xffff  }
0x1f1: {  	v17 =	vadd.s32 $0x40, v1;
	v12 =	vld.idx.msk [tilespmem:v12+s9+$0x0], $0xffff  }
0x1f2: {  	v18 =	vadd.s32 $0x40, v2;
	v13 =	vld.idx.msk [tilespmem:v13+s9+$0x0], $0xffff  }
0x1f3: {  	v19 =	vadd.s32 $0x40, v6;
	v14 =	vld.idx.msk [tilespmem:v14+s9+$0x0], $0xffff  }
0x1f4: {  	s23 =	simm.s32 $0xE200;
	v20 =	vadd.s32 $0x40, v3;
	v15 =	vld.idx.msk [tilespmem:v15+s9+$0x0], $0xffff  }
0x1f5: {  	v21 =	vadd.s32 $0x40, v4;
	[tilespmem:s23+$0x3F0] =	vst v9;
	v9 =	vld.idx.msk [tilespmem:v16+s9+$0x0], $0xffff  }
0x1f6: {  	v62 =	vadd.s32 $0x180, v1;
	[tilespmem:s23+$0x380] =	vst v7;
	v7 =	vld.idx.msk [tilespmem:v17+s9+$0x0], $0xffff  }
0x1f7: {  	v16 =	vadd.s32 $0x40, v5;
	[tilespmem:s23+$0x390] =	vst v10;
	v10 =	vld.idx.msk [tilespmem:v18+s9+$0x0], $0xffff  }
0x1f8: {  	v17 =	vadd.s32 $0x40, v0;
	[tilespmem:s23+$0x3A0] =	vst v11;
	v11 =	vld.idx.msk [tilespmem:v19+s9+$0x0], $0xffff  }
0x1f9: {  	v18 =	vadd.s32 $0x80, v8;
	[tilespmem:s23+$0x3B0] =	vst v12;
	v12 =	vld.idx.msk [tilespmem:v20+s9+$0x0], $0xffff  }
0x1fa: {  	v19 =	vadd.s32 $0x80, v1;
	[tilespmem:s23+$0x3C0] =	vst v13;
	v13 =	vld.idx.msk [tilespmem:v21+s9+$0x0], $0xffff  }
0x1fb: {  	v51 =	vadd.s32 $0x80, v2;
	[tilespmem:s23+$0x3D0] =	vst v14;
	v21 =	vld.idx.msk [tilespmem:v62+s9+$0x0], $0xffff  }
0x1fc: {  	v52 =	vadd.s32 $0x80, v6;
	[tilespmem:s23+$0x3E0] =	vst v15;
	v14 =	vld.idx.msk [tilespmem:v16+s9+$0x0], $0xffff  }
0x1fd: {  	v16 =	vadd.s32 $0x80, v3;
	v15 =	vld.idx.msk [tilespmem:v17+s9+$0x0], $0xffff;
	[tilespmem:s23+$0x80] =	vst v9  }
0x1fe: {  	v17 =	vadd.s32 $0x80, v4;
	v9 =	vld.idx.msk [tilespmem:v18+s9+$0x0], $0xffff;
	[tilespmem:s23+$0x90] =	vst v7  }
0x1ff: {  	v18 =	vadd.s32 $0x80, v5;
	v7 =	vld.idx.msk [tilespmem:v19+s9+$0x0], $0xffff;
	[tilespmem:s23+$0xA0] =	vst v10  }
0x200: {  	v19 =	vadd.s32 $0x80, v0;
	v10 =	vld.idx.msk [tilespmem:v51+s9+$0x0], $0xffff;
	[tilespmem:s23+$0xB0] =	vst v11  }
0x201: {  	v53 =	vadd.s32 $0xC0, v8;
	v11 =	vld.idx.msk [tilespmem:v52+s9+$0x0], $0xffff;
	[tilespmem:s23+$0xC0] =	vst v12  }
0x202: {  	v54 =	vadd.s32 $0xC0, v1;
	[tilespmem:s23+$0xD0] =	vst v13;
	v12 =	vld.idx.msk [tilespmem:v16+s9+$0x0], $0xffff  }
0x203: {  	v16 =	vadd.s32 $0xC0, v2;
	v13 =	vld.idx.msk [tilespmem:v17+s9+$0x0], $0xffff;
	[tilespmem:s23+$0xE0] =	vst v14  }
0x204: {  	v17 =	vadd.s32 $0xC0, v6;
	v14 =	vld.idx.msk [tilespmem:v18+s9+$0x0], $0xffff;
	[tilespmem:s23+$0xF0] =	vst v15  }
0x205: {  	v18 =	vadd.s32 $0xC0, v3;
	v15 =	vld.idx.msk [tilespmem:v19+s9+$0x0], $0xffff;
	[tilespmem:s23+$0x100] =	vst v9  }
0x206: {  	v19 =	vadd.s32 $0xC0, v4;
	v9 =	vld.idx.msk [tilespmem:v53+s9+$0x0], $0xffff;
	[tilespmem:s23+$0x110] =	vst v7  }
0x207: {  	v55 =	vadd.s32 $0xC0, v5;
	v7 =	vld.idx.msk [tilespmem:v54+s9+$0x0], $0xffff;
	[tilespmem:s23+$0x120] =	vst v10  }
0x208: {  	v56 =	vadd.s32 $0xC0, v0;
	[tilespmem:s23+$0x130] =	vst v11;
	v10 =	vld.idx.msk [tilespmem:v16+s9+$0x0], $0xffff  }
0x209: {  	v16 =	vadd.s32 $0x100, v8;
	v11 =	vld.idx.msk [tilespmem:v17+s9+$0x0], $0xffff;
	[tilespmem:s23+$0x140] =	vst v12  }
0x20a: {  	v17 =	vadd.s32 $0x100, v1;
	v12 =	vld.idx.msk [tilespmem:v18+s9+$0x0], $0xffff;
	[tilespmem:s23+$0x150] =	vst v13  }
0x20b: {  	v18 =	vadd.s32 $0x100, v2;
	v13 =	vld.idx.msk [tilespmem:v19+s9+$0x0], $0xffff;
	[tilespmem:s23+$0x160] =	vst v14  }
0x20c: {  	v19 =	vadd.s32 $0x100, v6;
	v14 =	vld.idx.msk [tilespmem:v55+s9+$0x0], $0xffff;
	[tilespmem:s23+$0x170] =	vst v15  }
0x20d: {  	v57 =	vadd.s32 $0x100, v3;
	v15 =	vld.idx.msk [tilespmem:v56+s9+$0x0], $0xffff;
	[tilespmem:s23+$0x180] =	vst v9  }
0x20e: {  	v58 =	vadd.s32 $0x100, v4;
	[tilespmem:s23+$0x190] =	vst v7;
	v9 =	vld.idx.msk [tilespmem:v16+s9+$0x0], $0xffff  }
0x20f: {  	v16 =	vadd.s32 $0x100, v5;
	v7 =	vld.idx.msk [tilespmem:v17+s9+$0x0], $0xffff;
	[tilespmem:s23+$0x1A0] =	vst v10  }
0x210: {  	v17 =	vadd.s32 $0x100, v0;
	v10 =	vld.idx.msk [tilespmem:v18+s9+$0x0], $0xffff;
	[tilespmem:s23+$0x1B0] =	vst v11  }
0x211: {  	v18 =	vadd.s32 $0x140, v8;
	v11 =	vld.idx.msk [tilespmem:v19+s9+$0x0], $0xffff;
	[tilespmem:s23+$0x1C0] =	vst v12  }
0x212: {  	v19 =	vadd.s32 $0x140, v1;
	v12 =	vld.idx.msk [tilespmem:v57+s9+$0x0], $0xffff;
	[tilespmem:s23+$0x1D0] =	vst v13  }
0x213: {  	v59 =	vadd.s32 $0x140, v2;
	v13 =	vld.idx.msk [tilespmem:v58+s9+$0x0], $0xffff;
	[tilespmem:s23+$0x1E0] =	vst v14  }
0x214: {  	v60 =	vadd.s32 $0x140, v6;
	[tilespmem:s23+$0x1F0] =	vst v15;
	v14 =	vld.idx.msk [tilespmem:v16+s9+$0x0], $0xffff  }
0x215: {  	v16 =	vadd.s32 $0x140, v3;
	v15 =	vld.idx.msk [tilespmem:v17+s9+$0x0], $0xffff;
	[tilespmem:s23+$0x200] =	vst v9  }
0x216: {  	v17 =	vadd.s32 $0x140, v4;
	v9 =	vld.idx.msk [tilespmem:v18+s9+$0x0], $0xffff;
	[tilespmem:s23+$0x210] =	vst v7  }
0x217: {  	v18 =	vadd.s32 $0x140, v5;
	v7 =	vld.idx.msk [tilespmem:v19+s9+$0x0], $0xffff;
	[tilespmem:s23+$0x220] =	vst v10  }
0x218: {  	v19 =	vadd.s32 $0x140, v0;
	v10 =	vld.idx.msk [tilespmem:v59+s9+$0x0], $0xffff;
	[tilespmem:s23+$0x230] =	vst v11  }
0x219: {  	v61 =	vadd.s32 $0x180, v8;
	v11 =	vld.idx.msk [tilespmem:v60+s9+$0x0], $0xffff;
	[tilespmem:s23+$0x240] =	vst v12  }
0x21a: {  	[tilespmem:s23+$0x250] =	vst v13;
	v12 =	vld.idx.msk [tilespmem:v16+s9+$0x0], $0xffff  }
0x21b: {  	v16 =	vadd.s32 $0x180, v2;
	v13 =	vld.idx.msk [tilespmem:v17+s9+$0x0], $0xffff;
	[tilespmem:s23+$0x260] =	vst v14  }
0x21c: {  	v17 =	vadd.s32 $0x180, v6;
	v14 =	vld.idx.msk [tilespmem:v18+s9+$0x0], $0xffff;
	[tilespmem:s23+$0x270] =	vst v15  }
0x21d: {  	v18 =	vadd.s32 $0x180, v3;
	v19 =	vld.idx.msk [tilespmem:v19+s9+$0x0], $0xffff;
	[tilespmem:s23+$0x280] =	vst v9  }
0x21e: {  	v15 =	vadd.s32 $0x180, v4;
	v9 =	vld.idx.msk [tilespmem:v61+s9+$0x0], $0xffff;
	[tilespmem:s23+$0x290] =	vst v7  }
0x21f: {  	v63 =	vadd.s32 $0x180, v5;
	[tilespmem:s23+$0x2B0] =	vst v11;
	v11 =	vld.idx.msk [tilespmem:v2+s9+$0x0], $0xffff  }
0x220: {  	v7 =	vadd.s32 $0x180, v0;
	[tilespmem:s23+$0x2A0] =	vst v10;
	v10 =	vld.idx.msk [tilespmem:v16+s9+$0x0], $0xffff  }
0x221: {  	v17 =	vld.idx.msk [tilespmem:v17+s9+$0x0], $0xffff;
	[tilespmem:s23+$0x2C0] =	vst v12  }
0x222: {  	v16 =	vld.idx.msk [tilespmem:v18+s9+$0x0], $0xffff;
	[tilespmem:s23+$0x2D0] =	vst v13  }
0x223: {  	v15 =	vld.idx.msk [tilespmem:v15+s9+$0x0], $0xffff;
	[tilespmem:s23+$0x2E0] =	vst v14  }
0x224: {  	v14 =	vld.idx.msk [tilespmem:v63+s9+$0x0], $0xffff;
	[tilespmem:s23+$0x2F0] =	vst v19  }
0x225: {  	v13 =	vld.idx.msk [tilespmem:v7+s9+$0x0], $0xffff;
	[tilespmem:s23+$0x300] =	vst v9  }
0x226: {  	v7 =	vld.idx.msk [tilespmem:v8+s9+$0x0], $0xffff;
	[tilespmem:s23+$0x310] =	vst v21  }
0x227: {  	v12 =	vld.idx.msk [tilespmem:v1+s9+$0x0], $0xffff;
	v9 =	vadd.s32 $0x200, v8;
	v8 =	vmov v0;
	[tilespmem:s23+$0x320] =	vst v10  }
0x228: {  	s24 =	simm.s32 $0x0;
	v10 =	vld.idx.msk [tilespmem:v6+s9+$0x0], $0xffff;
	[tilespmem:s23+$0x330] =	vst v17  }
.LBB2_9:
0x229: {  	v17 =	vadd.s32 $0x40, v9;
	v18 =	vadd.s32 $0x1C0, v9;
	v19 =	vld.idx.msk [tilespmem:v3+s9+$0x0], $0xffff;
	[tilespmem:s23+$0x340] =	vst v16;
	v0 =	vadd.s32 $0x200, v0  }
0x22a: {  	s24 =	sadd.s32 $0x8, s24;
	v1 =	vadd.s32 $0x200, v1;
	v16 =	vadd.s32 $0x40, v0;
	v20 =	vadd.s32 $0x1C0, v0;
	v21 =	vld.idx.msk [tilespmem:v4+s9+$0x0], $0xffff;
	[tilespmem:s23+$0x350] =	vst v15  }
0x22b: {  	v2 =	vadd.s32 $0x200, v2;
	v15 =	vadd.s32 $0x40, v1;
	v22 =	vadd.s32 $0x1C0, v1;
	p0 =	slt.u32 s24, $0x70;
	v23 =	vld.idx.msk [tilespmem:v5+s9+$0x0], $0xffff;
	[tilespmem:s23+$0x360] =	vst v14  }
0x22c: {  	v6 =	vadd.s32 $0x200, v6;
	v24 =	vadd.s32 $0x1C0, v2;
	v14 =	vadd.s32 $0x40, v2;
	v25 =	vld.idx.msk [tilespmem:v8+s9+$0x0], $0xffff;
	[tilespmem:s23+$0x370] =	vst v13;
	v8 =	vmovc v0  }
0x22d: {  	v3 =	vadd.s32 $0x200, v3;
	v26 =	vadd.s32 $0x1C0, v6;
	v13 =	vadd.s32 $0x40, v6;
	[tilespmem:s23+$0x0] =	vst v7;
	v7 =	vld.idx.msk [tilespmem:v9+s9+$0x0], $0xffff  }
0x22e: {  	v27 =	vadd.s32 $0x40, v3;
	v28 =	vadd.s32 $0x1C0, v3;
	v4 =	vadd.s32 $0x200, v4;
	v18 =	vld.idx.msk [tilespmem:v18+s9+$0x0], $0xffff;
	[tilespmem:s23+$0x10] =	vst v12  }
0x22f: {  	v29 =	vadd.s32 $0x1C0, v4;
	v5 =	vadd.s32 $0x200, v5;
	v12 =	vadd.s32 $0x40, v4;
	v20 =	vld.idx.msk [tilespmem:v20+s9+$0x0], $0xffff;
	[tilespmem:s23+$0x20] =	vst v11  }
0x230: {  	v30 =	vadd.s32 $0x80, v9;
	v31 =	vadd.s32 $0x1C0, v5;
	v11 =	vadd.s32 $0x40, v5;
	v22 =	vld.idx.msk [tilespmem:v22+s9+$0x0], $0xffff;
	[tilespmem:s23+$0x30] =	vst v10  }
0x231: {  	v32 =	vadd.s32 $0x80, v2;
	v33 =	vadd.s32 $0x80, v6;
	v10 =	vadd.s32 $0x80, v1;
	v24 =	vld.idx.msk [tilespmem:v24+s9+$0x0], $0xffff;
	[tilespmem:s23+$0x40] =	vst v19  }
0x232: {  	v34 =	vadd.s32 $0x80, v4;
	v35 =	vadd.s32 $0x80, v5;
	v19 =	vadd.s32 $0x80, v3;
	v26 =	vld.idx.msk [tilespmem:v26+s9+$0x0], $0xffff;
	[tilespmem:s23+$0x50] =	vst v21  }
0x233: {  	v36 =	vadd.s32 $0xC0, v9;
	v37 =	vadd.s32 $0xC0, v1;
	v21 =	vadd.s32 $0x80, v0;
	v28 =	vld.idx.msk [tilespmem:v28+s9+$0x0], $0xffff;
	[tilespmem:s23+$0x60] =	vst v23  }
0x234: {  	v38 =	vadd.s32 $0xC0, v6;
	v39 =	vadd.s32 $0xC0, v3;
	v23 =	vadd.s32 $0xC0, v2;
	v29 =	vld.idx.msk [tilespmem:v29+s9+$0x0], $0xffff;
	[tilespmem:s23+$0x70] =	vst v25;
	s23 =	sadd.s32 $0x400, s23  }
0x235: {  	v41 =	vadd.s32 $0xC0, v0;
	v40 =	vadd.s32 $0xC0, v5;
	v25 =	vadd.s32 $0xC0, v4;
	v31 =	vld.idx.msk [tilespmem:v31+s9+$0x0], $0xffff;
	[tilespmem:s23+$0x3F0] =	vst v20  }
0x236: {  	v42 =	vadd.s32 $0x100, v1;
	v43 =	vadd.s32 $0x100, v2;
	v20 =	vadd.s32 $0x100, v9;
	v17 =	vld.idx.msk [tilespmem:v17+s9+$0x0], $0xffff;
	[tilespmem:s23+$0x380] =	vst v18  }
0x237: {  	v44 =	vadd.s32 $0x100, v3;
	v45 =	vadd.s32 $0x100, v4;
	v18 =	vadd.s32 $0x100, v6;
	v15 =	vld.idx.msk [tilespmem:v15+s9+$0x0], $0xffff;
	[tilespmem:s23+$0x390] =	vst v22  }
0x238: {  	v47 =	vadd.s32 $0x140, v9;
	v46 =	vadd.s32 $0x100, v0;
	v22 =	vadd.s32 $0x100, v5;
	v14 =	vld.idx.msk [tilespmem:v14+s9+$0x0], $0xffff;
	[tilespmem:s23+$0x3A0] =	vst v24  }
0x239: {  	v48 =	vadd.s32 $0x140, v2;
	v49 =	vadd.s32 $0x140, v6;
	v24 =	vadd.s32 $0x140, v1;
	v13 =	vld.idx.msk [tilespmem:v13+s9+$0x0], $0xffff;
	[tilespmem:s23+$0x3B0] =	vst v26  }
0x23a: {  	v50 =	vadd.s32 $0x140, v4;
	v51 =	vadd.s32 $0x140, v5;
	v26 =	vld.idx.msk [tilespmem:v27+s9+$0x0], $0xffff;
	v27 =	vadd.s32 $0x140, v3;
	[tilespmem:s23+$0x3C0] =	vst v28  }
0x23b: {  	v52 =	vadd.s32 $0x180, v9;
	v53 =	vadd.s32 $0x180, v1;
	v28 =	vadd.s32 $0x140, v0;
	v12 =	vld.idx.msk [tilespmem:v12+s9+$0x0], $0xffff;
	[tilespmem:s23+$0x3D0] =	vst v29  }
0x23c: {  	v54 =	vadd.s32 $0x180, v6;
	v55 =	vadd.s32 $0x180, v3;
	v29 =	vadd.s32 $0x180, v2;
	v11 =	vld.idx.msk [tilespmem:v11+s9+$0x0], $0xffff;
	[tilespmem:s23+$0x3E0] =	vst v31  }
0x23d: {  	v56 =	vadd.s32 $0x180, v0;
	v31 =	vadd.s32 $0x180, v5;
	v16 =	vld.idx.msk [tilespmem:v16+s9+$0x0], $0xffff;
	[tilespmem:s23+$0x80] =	vst v17;
	v17 =	vadd.s32 $0x180, v4  }
0x23e: {  	[tilespmem:s23+$0x90] =	vst v15;
	v15 =	vld.idx.msk [tilespmem:v30+s9+$0x0], $0xffff  }
0x23f: {  	[tilespmem:s23+$0xA0] =	vst v14;
	v10 =	vld.idx.msk [tilespmem:v10+s9+$0x0], $0xffff  }
0x240: {  	[tilespmem:s23+$0xB0] =	vst v13;
	v13 =	vld.idx.msk [tilespmem:v32+s9+$0x0], $0xffff  }
0x241: {  	[tilespmem:s23+$0xC0] =	vst v26;
	v14 =	vld.idx.msk [tilespmem:v33+s9+$0x0], $0xffff  }
0x242: {  	[tilespmem:s23+$0xD0] =	vst v12;
	v12 =	vld.idx.msk [tilespmem:v19+s9+$0x0], $0xffff  }
0x243: {  	[tilespmem:s23+$0xE0] =	vst v11;
	v11 =	vld.idx.msk [tilespmem:v34+s9+$0x0], $0xffff  }
0x244: {  	[tilespmem:s23+$0xF0] =	vst v16;
	v16 =	vld.idx.msk [tilespmem:v35+s9+$0x0], $0xffff  }
0x245: {  	v19 =	vld.idx.msk [tilespmem:v21+s9+$0x0], $0xffff;
	[tilespmem:s23+$0x100] =	vst v15  }
0x246: {  	[tilespmem:s23+$0x110] =	vst v10;
	v10 =	vld.idx.msk [tilespmem:v36+s9+$0x0], $0xffff  }
0x247: {  	[tilespmem:s23+$0x120] =	vst v13;
	v13 =	vld.idx.msk [tilespmem:v37+s9+$0x0], $0xffff  }
0x248: {  	[tilespmem:s23+$0x130] =	vst v14;
	v14 =	vld.idx.msk [tilespmem:v23+s9+$0x0], $0xffff  }
0x249: {  	[tilespmem:s23+$0x140] =	vst v12;
	v12 =	vld.idx.msk [tilespmem:v38+s9+$0x0], $0xffff  }
0x24a: {  	[tilespmem:s23+$0x150] =	vst v11;
	v11 =	vld.idx.msk [tilespmem:v39+s9+$0x0], $0xffff  }
0x24b: {  	[tilespmem:s23+$0x160] =	vst v16;
	v15 =	vld.idx.msk [tilespmem:v25+s9+$0x0], $0xffff  }
0x24c: {  	[tilespmem:s23+$0x170] =	vst v19;
	v16 =	vld.idx.msk [tilespmem:v40+s9+$0x0], $0xffff  }
0x24d: {  	v19 =	vld.idx.msk [tilespmem:v41+s9+$0x0], $0xffff;
	[tilespmem:s23+$0x180] =	vst v10  }
0x24e: {  	[tilespmem:s23+$0x190] =	vst v13;
	v10 =	vld.idx.msk [tilespmem:v20+s9+$0x0], $0xffff  }
0x24f: {  	[tilespmem:s23+$0x1A0] =	vst v14;
	v13 =	vld.idx.msk [tilespmem:v42+s9+$0x0], $0xffff  }
0x250: {  	[tilespmem:s23+$0x1B0] =	vst v12;
	v12 =	vld.idx.msk [tilespmem:v43+s9+$0x0], $0xffff  }
0x251: {  	[tilespmem:s23+$0x1C0] =	vst v11;
	v11 =	vld.idx.msk [tilespmem:v18+s9+$0x0], $0xffff  }
0x252: {  	[tilespmem:s23+$0x1D0] =	vst v15;
	v14 =	vld.idx.msk [tilespmem:v44+s9+$0x0], $0xffff  }
0x253: {  	[tilespmem:s23+$0x1E0] =	vst v16;
	v15 =	vld.idx.msk [tilespmem:v45+s9+$0x0], $0xffff  }
0x254: {  	[tilespmem:s23+$0x1F0] =	vst v19;
	v16 =	vld.idx.msk [tilespmem:v22+s9+$0x0], $0xffff  }
0x255: {  	v18 =	vld.idx.msk [tilespmem:v46+s9+$0x0], $0xffff;
	[tilespmem:s23+$0x200] =	vst v10  }
0x256: {  	[tilespmem:s23+$0x210] =	vst v13;
	v10 =	vld.idx.msk [tilespmem:v47+s9+$0x0], $0xffff  }
0x257: {  	[tilespmem:s23+$0x220] =	vst v12;
	v12 =	vld.idx.msk [tilespmem:v24+s9+$0x0], $0xffff  }
0x258: {  	[tilespmem:s23+$0x230] =	vst v11;
	v11 =	vld.idx.msk [tilespmem:v48+s9+$0x0], $0xffff  }
0x259: {  	[tilespmem:s23+$0x240] =	vst v14;
	v13 =	vld.idx.msk [tilespmem:v49+s9+$0x0], $0xffff  }
0x25a: {  	[tilespmem:s23+$0x250] =	vst v15;
	v14 =	vld.idx.msk [tilespmem:v27+s9+$0x0], $0xffff  }
0x25b: {  	[tilespmem:s23+$0x260] =	vst v16;
	v15 =	vld.idx.msk [tilespmem:v50+s9+$0x0], $0xffff  }
0x25c: {  	[tilespmem:s23+$0x270] =	vst v18;
	v18 =	vld.idx.msk [tilespmem:v51+s9+$0x0], $0xffff  }
0x25d: {  	v19 =	vld.idx.msk [tilespmem:v28+s9+$0x0], $0xffff;
	[tilespmem:s23+$0x280] =	vst v10  }
0x25e: {  	[tilespmem:s23+$0x290] =	vst v12;
	v10 =	vld.idx.msk [tilespmem:v52+s9+$0x0], $0xffff  }
0x25f: {  	[tilespmem:s23+$0x2A0] =	vst v11;
	v11 =	vld.idx.msk [tilespmem:v53+s9+$0x0], $0xffff  }
0x260: {  	[tilespmem:s23+$0x2B0] =	vst v13;
	v20 =	vld.idx.msk [tilespmem:v29+s9+$0x0], $0xffff  }
0x261: {  	[tilespmem:s23+$0x2C0] =	vst v14;
	v21 =	vld.idx.msk [tilespmem:v54+s9+$0x0], $0xffff  }
0x262: {  	[tilespmem:s23+$0x2D0] =	vst v15;
	v16 =	vld.idx.msk [tilespmem:v55+s9+$0x0], $0xffff  }
0x263: {  	[tilespmem:s23+$0x2E0] =	vst v18;
	v15 =	vld.idx.msk [tilespmem:v17+s9+$0x0], $0xffff  }
.Ltmp3:
0x264: {  	[tilespmem:s23+$0x2F0] =	vst v19;
	v14 =	vld.idx.msk [tilespmem:v31+s9+$0x0], $0xffff;
	(pc) =	sbr.rel @p0 .LBB2_9-.Ltmp3, $4  }
0x265: {  	v13 =	vld.idx.msk [tilespmem:v56+s9+$0x0], $0xffff;
	[tilespmem:s23+$0x300] =	vst v10  }
0x266: {  	v12 =	vld.idx.msk [tilespmem:v1+s9+$0x0], $0xffff;
	[tilespmem:s23+$0x310] =	vst v11  }
0x267: {  	v11 =	vld.idx.msk [tilespmem:v2+s9+$0x0], $0xffff;
	[tilespmem:s23+$0x320] =	vst v20  }
0x268: {  	v9 =	vadd.s32 $0x200, v9;
	v10 =	vld.idx.msk [tilespmem:v6+s9+$0x0], $0xffff;
	[tilespmem:s23+$0x330] =	vst v21  }
0x269: {  	_ =	sdelay $0x3  }
0x26a: {  	v0 =	vld.idx.msk [tilespmem:v3+s9+$0x0], $0xffff;
	[tilespmem:s23+$0x340] =	vst v16  }
0x26b: {  	v1 =	vld.idx.msk [tilespmem:v4+s9+$0x0], $0xffff;
	[tilespmem:s23+$0x350] =	vst v15  }
0x26c: {  	v2 =	vld.idx.msk [tilespmem:v5+s9+$0x0], $0xffff;
	[tilespmem:s23+$0x360] =	vst v14  }
0x26d: {  	v63 =	vld.idx.msk [tilespmem:v8+s9+$0x0], $0xffff;
	[tilespmem:s23+$0x0] =	vst v7  }
0x26e: {  	[tilespmem:s23+$0x370] =	vst v13  }
0x26f: {  	[tilespmem:s23+$0x10] =	vst v12  }
0x270: {  	s21 =	sadd.s32 $0x1, s21;
	[tilespmem:s23+$0x20] =	vst v11  }
0x271: {  	p0 =	sne.s32 s21, $0x8;
	[tilespmem:s23+$0x30] =	vst v10  }
.Ltmp4:
0x272: {  	s22 =	sshll.u32 s22, $0xA;
	[tilespmem:s23+$0x40] =	vst v0;
	(pc) =	sbr.rel @p0 .LBB2_2-.Ltmp4, $4  }
0x273: {  	s22 =	sadd.s32 s6, s22;
	[tilespmem:s23+$0x50] =	vst v1  }
0x274: {  	s22 =	sshrl.u32 s22, $0x3;
	[tilespmem:s23+$0x60] =	vst v2  }
0x275: {  	s22 =	sadd.s32 s2, s22;
	[tilespmem:s23+$0x70] =	vst v63  }
0x276: {  	[hbm4b:s22+s10] =	stream.strided.scatter [tilespmem:s15], [sflag:$0x4], $0x3C00, s11, s10, $0x38;
	[tilespmem:$0x11E00] =	vst v63  }
0x277: {  	_ =	swait.ge [sflag:s16], $0x3C00  }
0x278: {  	[sflag:s16] =	ssyncset.done $0x0  }
0x279: {  	[sflag:s16] =	ssyncadd.s32 $0xFFFFC400  }
0x27a: {  	_ =	swait.ge [sflag:s17], $0x3C00  }
0x27b: {  	[sflag:s17] =	ssyncset.done $0x0  }
0x27c: {  	s20 =	sadd.s32 $0x1, s20;
	[sflag:s17] =	ssyncadd.s32 $0xFFFFC400  }
0x27d: {  	p0 =	sne.s32 s20, s7;
	_ =	swait.ge [sflag:s18], $0x3C00  }
.Ltmp5:
0x27e: {  	[sflag:s18] =	ssyncset.done $0x0;
	(pc) =	sbr.rel @p0 .LBB2_1-.Ltmp5, $4  }
0x27f: {  	[sflag:s18] =	ssyncadd.s32 $0xFFFFC400  }
0x280: {  	_ =	swait.ge [sflag:s19], $0x3C00  }
0x281: {  	[sflag:s19] =	ssyncset.done $0x0  }
0x282: {  	[sflag:s19] =	ssyncadd.s32 $0xFFFFC400  }
0x283: {  	_ =	sfence.sel $0x180000  }
0x284: {  	[bflag:$0x0] =	sbarrier.arrive $0xFFFF  }
0x285: {  	p0 =	sne.s32 s1, $0x0;
	_ =	strace $0x90000047  }
0x286: {  	s0 =	sadd.s32 @!p0 $0x100000, s0;
	[bflag:$0x2] =	sbarrier.arrive $0xFFFF  }
0x287: {  	[sflag:s0] =	ssyncadd.tile.s32 @!p0 $0x1;
	_ =	shalt  }
.Lfunc_end2:
_tile_overlayer_lowered:
.L_overlay_start_2:
0x288: {  	(tag) =	ssettag $0x2  }
0x289: {  	s0 =	rddreg [dreg:$0x0];
	s2 =	stileid.u32  }
0x28a: {  	s1 =	rddreg [dreg:$0x1];
	p0 =	sne.s32 s2, $0x0  }
0x28b: {  	s3 =	rddreg [dreg:$0x2];
	[bflag:$0x3] =	sbarrier.arrive $0xFFFF;
	s2 =	simm.s32 @!p0 $0x1C05  }
0x28c: {  	[timem:s3], [sflag:s2] =	dma.local @!p0 [hbm:s0], s1  }
0x28d: {  	s0 =	simm.s32 @!p0 $0x5  }
0x28e: {  	_ =	swait.ge @!p0 [sflag:s0], s1  }
0x28f: {  	s1 =	ssub.s32 @!p0 $0x0, s1;
	[sflag:s0] =	ssyncset.done @!p0 $0x0  }
0x290: {  	[sflag:s0] =	ssyncadd.s32 @!p0 s1  }
0x291: {  	[bflag:$0x3] =	sbarrier.arrive $0xFFFF  }
0x292: {  	_ =	shalt  }

</sc_bundles>
